<compile_context>
chip_gen: v7x
topology: tpu7x:2x2x1
jax: 0.10.2.dev20260603
libtpu: 0.0.44.dev20260713+nightly
codegen_flags: <defaults>
</compile_context>

<pallas_src>
import functools

import jax
import jax.numpy as jnp
from jax import lax
from jax.experimental import pallas as pl
from jax.experimental.pallas import tpu as pltpu
from jax.experimental.pallas import tpu_sc as plsc

TN = 256
KNB = 9
_NC, _NS = 2, 16
_NW = _NC * _NS
_CH = 128


def _k12_body(n_pts, xT_ref, x_ref, Wm_ref, gidx_ref, zt_ref, ax_ref):
    b = pl.program_id(0)
    xt = xT_ref[0]
    xb = x_ref[0]
    G = jnp.dot(xt, xb, preferred_element_type=jnp.float32)
    xxr = jnp.sum(xt * xt, axis=1, keepdims=True)
    xxc = jnp.sum(xb * xb, axis=0, keepdims=True)
    S = (2.0 * G - xxr) - xxc
    cols = lax.broadcasted_iota(jnp.int32, S.shape, 1)
    vals = S
    idxs = []
    for _ in range(KNB):
        m = jnp.max(vals, axis=1, keepdims=True)
        eq = vals == m
        am = jnp.min(jnp.where(eq, cols, n_pts), axis=1, keepdims=True)
        idxs.append(am)
        vals = jnp.where(eq, -jnp.inf, vals)
    idxs += [jnp.zeros_like(idxs[0])] * (16 - KNB)
    idx_mat = jnp.concatenate(idxs, axis=1)
    k16 = lax.broadcasted_iota(jnp.int32, (1, 16), 1)
    off = (b * 3 + k16 % 3) * n_pts
    gidx_ref[0] = idx_mat + off
    for t in range(3):
        zt_ref[0, t] = jnp.dot(xt, Wm_ref[1 + t],
                               preferred_element_type=jnp.float32)
    ax_ref[0] = jnp.dot(xt, Wm_ref[0], preferred_element_type=jnp.float32)


_KF = 6


def _sc_gather(table, gidx_flat):
    rt, cdim = gidx_flat.shape[0], table.shape[1]
    rpw = rt // _NW
    nch = rpw // _CH
    mesh = plsc.VectorSubcoreMesh(core_axis_name="c", subcore_axis_name="s")

    @functools.partial(
        pl.kernel, mesh=mesh,
        out_type=jax.ShapeDtypeStruct((rt, cdim), jnp.float32),
        scratch_types=(
            [pltpu.VMEM((_CH,), jnp.int32) for _ in range(_KF)]
            + [pltpu.VMEM((_CH, cdim), jnp.float32) for _ in range(_KF)]
            + [pltpu.SemaphoreType.DMA]
        ),
    )
    def k(table_hbm, idx_hbm, out_hbm, *scratch):
        idxv = scratch[:_KF]
        rows = scratch[_KF:2 * _KF]
        sem = scratch[2 * _KF]
        wid = lax.axis_index("s") * _NC + lax.axis_index("c")
        base = wid * rpw

        def body(cg, carry):
            c0 = base + cg * (_KF * _CH)
            handles = []
            for j in range(_KF):
                pltpu.sync_copy(idx_hbm.at[pl.ds(c0 + j * _CH, _CH)], idxv[j])
                handles.append(
                    pltpu.async_copy(table_hbm.at[idxv[j]], rows[j], sem))
            for j in range(_KF):
                handles[j].wait()
                pltpu.sync_copy(rows[j], out_hbm.at[pl.ds(c0 + j * _CH, _CH)])
            return carry

        lax.fori_loop(0, nch // _KF, body, 0)

    return k(table, gidx_flat)


def _k4_body(cdim, gat_ref, ax_ref, b1_ref, y1_ref, st_ref):
    b = pl.program_id(0)
    i = pl.program_id(1)
    axv = ax_ref[0] + b1_ref[...][None, :]
    parts = []
    for j in range(3):
        s = gat_ref[0, 0, j] + gat_ref[1, 0, j] + gat_ref[2, 0, j]
        parts.append(axv - s)
    y1cat = jnp.concatenate(parts, axis=1)
    y1_ref[0] = y1cat

    @pl.when((b == 0) & (i == 0))
    def _():
        st_ref[...] = jnp.zeros_like(st_ref)

    st_ref[0, :] += jnp.sum(y1cat, axis=0)
    st_ref[1, :] += jnp.sum(y1cat * y1cat, axis=0)


def _k5_body(cdim, cnt, y1_ref, st_ref, W2_ref, g1_ref, bt1_ref, b2_ref,
             y2_ref, st2_ref):
    b = pl.program_id(0)
    i = pl.program_id(1)
    s0 = st_ref[0, :]
    s1 = st_ref[1, :]
    m = (s0[:cdim] + s0[cdim:2 * cdim] + s0[2 * cdim:]) / cnt
    v = (s1[:cdim] + s1[cdim:2 * cdim] + s1[2 * cdim:]) / cnt - m * m
    scale = g1_ref[...] * lax.rsqrt(v + 1e-5)
    shift = bt1_ref[...] - m * scale
    sc3 = jnp.concatenate([scale, scale, scale])
    sh3 = jnp.concatenate([shift, shift, shift])
    h1 = jnp.maximum(y1_ref[0] * sc3[None, :] + sh3[None, :], 0.0)
    y2 = jnp.dot(h1, W2_ref[...], preferred_element_type=jnp.float32)
    y2 = y2 + b2_ref[...][None, :]
    y2_ref[0] = y2

    @pl.when((b == 0) & (i == 0))
    def _():
        st2_ref[...] = jnp.zeros_like(st2_ref)

    st2_ref[0, :] += jnp.sum(y2, axis=0)
    st2_ref[1, :] += jnp.sum(y2 * y2, axis=0)


def _k6_body(cnt2, y2_ref, st2_ref, g2_ref, bt2_ref, o_ref):
    s0 = st2_ref[0, :]
    s1 = st2_ref[1, :]
    m = s0 / cnt2
    v = s1 / cnt2 - m * m
    scale = g2_ref[...] * lax.rsqrt(v + 1e-5)
    shift = bt2_ref[...] - m * scale
    h = jnp.maximum(y2_ref[0] * scale[None, :] + shift[None, :], 0.0)
    o_ref[0] = h.T


NG = 2


def kernel(features, W1, b1, g1, bt1, W2, b2, g2, bt2):
    bsz, cdim, n_pts, _ = features.shape
    nt = n_pts // TN
    gb = bsz // NG
    x = features.reshape(bsz, cdim, n_pts)
    xT = jnp.transpose(x, (0, 2, 1))

    W1s = W1[:, :, 0, :]
    W1a, W1b = W1s[:, :cdim, :], W1s[:, cdim:, :]
    A_m = jnp.sum(W1a + W1b, axis=2).T
    Wm = jnp.stack([A_m, W1b[:, :, 0].T, W1b[:, :, 1].T, W1b[:, :, 2].T])
    W2cat = W2[:, :, 0, :].transpose(2, 1, 0).reshape(3 * cdim, cdim)

    gats, axs, y1s, st1s = [], [], [], []
    for g in range(NG):
        gidx, zt, ax = pl.pallas_call(
            functools.partial(_k12_body, n_pts),
            grid=(gb, nt),
            in_specs=[
                pl.BlockSpec((1, TN, cdim), lambda b, i: (b, i, 0)),
                pl.BlockSpec((1, cdim, n_pts), lambda b, i: (b, 0, 0)),
                pl.BlockSpec((4, cdim, cdim), lambda b, i: (0, 0, 0)),
            ],
            out_specs=[
                pl.BlockSpec((1, TN, 16), lambda b, i: (b, i, 0)),
                pl.BlockSpec((1, 3, TN, cdim), lambda b, i: (b, 0, i, 0)),
                pl.BlockSpec((1, TN, cdim), lambda b, i: (b, i, 0)),
            ],
            out_shape=[
                jax.ShapeDtypeStruct((gb, n_pts, 16), jnp.int32),
                jax.ShapeDtypeStruct((gb, 3, n_pts, cdim), jnp.float32),
                jax.ShapeDtypeStruct((gb, n_pts, cdim), jnp.float32),
            ],
        )(xT[g * gb:(g + 1) * gb], x[g * gb:(g + 1) * gb], Wm)

        table = zt.reshape(gb * 3 * n_pts, cdim)
        gidx_flat = (gidx[:, :, :KNB].reshape(gb, n_pts, 3, 3)
                     .transpose(3, 0, 2, 1).reshape(-1))
        gat_flat = _sc_gather(table, gidx_flat)
        gats.append(gat_flat.reshape(3, gb, 3, n_pts, cdim))
        axs.append(ax)

    for g in range(NG):
        y1, st1 = pl.pallas_call(
            functools.partial(_k4_body, cdim),
            grid=(gb, nt),
            in_specs=[
                pl.BlockSpec((3, 1, 3, TN, cdim), lambda b, i: (0, b, 0, i, 0)),
                pl.BlockSpec((1, TN, cdim), lambda b, i: (b, i, 0)),
                pl.BlockSpec((cdim,), lambda b, i: (0,)),
            ],
            out_specs=[
                pl.BlockSpec((1, TN, 3 * cdim), lambda b, i: (b, i, 0)),
                pl.BlockSpec((2, 3 * cdim), lambda b, i: (0, 0)),
            ],
            out_shape=[
                jax.ShapeDtypeStruct((gb, n_pts, 3 * cdim), jnp.float32),
                jax.ShapeDtypeStruct((2, 3 * cdim), jnp.float32),
            ],
        )(gats[g], axs[g], b1)
        y1s.append(y1)
        st1s.append(st1)
    st1 = st1s[0] + st1s[1]

    y2s, st2s = [], []
    for g in range(NG):
        y2, st2 = pl.pallas_call(
            functools.partial(_k5_body, cdim, float(bsz * n_pts * 3)),
            grid=(gb, nt),
            in_specs=[
                pl.BlockSpec((1, TN, 3 * cdim), lambda b, i: (b, i, 0)),
                pl.BlockSpec((2, 3 * cdim), lambda b, i: (0, 0)),
                pl.BlockSpec((3 * cdim, cdim), lambda b, i: (0, 0)),
                pl.BlockSpec((cdim,), lambda b, i: (0,)),
                pl.BlockSpec((cdim,), lambda b, i: (0,)),
                pl.BlockSpec((cdim,), lambda b, i: (0,)),
            ],
            out_specs=[
                pl.BlockSpec((1, TN, cdim), lambda b, i: (b, i, 0)),
                pl.BlockSpec((2, cdim), lambda b, i: (0, 0)),
            ],
            out_shape=[
                jax.ShapeDtypeStruct((gb, n_pts, cdim), jnp.float32),
                jax.ShapeDtypeStruct((2, cdim), jnp.float32),
            ],
        )(y1s[g], st1, W2cat, g1, bt1, b2)
        y2s.append(y2)
        st2s.append(st2)
    st2 = st2s[0] + st2s[1]

    outs = []
    for g in range(NG):
        out = pl.pallas_call(
            functools.partial(_k6_body, float(bsz * n_pts)),
            grid=(gb, nt),
            in_specs=[
                pl.BlockSpec((1, TN, cdim), lambda b, i: (b, i, 0)),
                pl.BlockSpec((2, cdim), lambda b, i: (0, 0)),
                pl.BlockSpec((cdim,), lambda b, i: (0,)),
                pl.BlockSpec((cdim,), lambda b, i: (0,)),
            ],
            out_specs=pl.BlockSpec((1, cdim, TN), lambda b, i: (b, 0, i)),
            out_shape=jax.ShapeDtypeStruct((gb, cdim, n_pts), jnp.float32),
        )(y2s[g], st2, g2, bt2)
        outs.append(out)

    return jnp.concatenate(outs, axis=0)[:, :, :, None]

# --- scband reference (transcript-rebuilt; emitter-appended) ---
"""Pipeline reference for scband-dgcnn-block-28028956574155 (READ-ONLY COPY).

The authoritative reference and input builder live on the scoring server;
editing this copy changes nothing except your own understanding.
"""

import jax, jax.numpy as jnp
import numpy as np

B, C, N, K = 8, 128, 2048, 9


def _knn(x, k):
    # x: [B, C, N]
    inner = -2.0 * jnp.matmul(jnp.transpose(x, (0, 2, 1)), x)
    xx = jnp.sum(x ** 2, axis=1, keepdims=True)
    pairwise_distance = -xx - inner - jnp.transpose(xx, (0, 2, 1))
    _, idx = jax.lax.top_k(pairwise_distance, k)
    return idx


def _get_graph_feature(x, k):
    b, c, n = x.shape
    idx = _knn(x, k)  # [B, N, k]
    idx_base = jnp.arange(b).reshape(-1, 1, 1) * n
    idx_flat = (idx + idx_base).reshape(-1)
    x_t = jnp.transpose(x, (0, 2, 1)).reshape(b * n, c)
    feature = jnp.take(x_t, idx_flat, axis=0).reshape(b, n, k, c)
    x_rep = jnp.broadcast_to(x_t.reshape(b, n, 1, c), (b, n, k, c))
    feature = jnp.concatenate([x_rep, x_rep - feature], axis=3)
    return jnp.transpose(feature, (0, 3, 1, 2))  # [B, 2C, N, k]


def _conv2d(x, W, bias, stride):
    y = jax.lax.conv_general_dilated(
        x, W, window_strides=stride, padding='VALID',
        dimension_numbers=('NCHW', 'OIHW', 'NCHW'))
    return y + bias.reshape(1, -1, 1, 1)


def _bn(x, gamma, beta, eps=1e-5):
    # BatchNorm2d in training mode: batch statistics, biased variance
    m = jnp.mean(x, axis=(0, 2, 3), keepdims=True)
    v = jnp.var(x, axis=(0, 2, 3), keepdims=True)
    xn = (x - m) / jnp.sqrt(v + eps)
    return xn * gamma.reshape(1, -1, 1, 1) + beta.reshape(1, -1, 1, 1)


def setup_inputs(seed: int = 0) -> dict:
    key = jax.random.key(seed)
    ks = jax.random.split(key, 4)
    features = jax.random.normal(ks[0], (B, C, N, 1), dtype=jnp.float32)
    W1 = jax.random.normal(ks[1], (C, 2 * C, 1, 3), dtype=jnp.float32) * 0.03
    b1 = jnp.zeros((C,), jnp.float32)
    g1 = jnp.ones((C,), jnp.float32)
    bt1 = jnp.zeros((C,), jnp.float32)
    W2 = jax.random.normal(ks[2], (C, C, 1, 3), dtype=jnp.float32) * 0.05
    b2 = jnp.zeros((C,), jnp.float32)
    g2 = jnp.ones((C,), jnp.float32)
    bt2 = jnp.zeros((C,), jnp.float32)
    return {"features": features, "W1": W1, "b1": b1, "g1": g1, "bt1": bt1,
            "W2": W2, "b2": b2, "g2": g2, "bt2": bt2}


def reference(features, W1, b1, g1, bt1, W2, b2, g2, bt2):
    b, _, n, _ = features.shape
    x = features.reshape(b, -1, n)  # [B, C, N]
    out = _get_graph_feature(x, K)  # [B, 2C, N, 9]
    out = jax.nn.relu(_bn(_conv2d(out, W1, b1, (1, 3)), g1, bt1))  # [B, C, N, 3]
    out = jax.nn.relu(_bn(_conv2d(out, W2, b2, (1, 1)), g2, bt2))  # [B, C, N, 1]
    return out

if __name__ == "__main__":
    import jax
    _d = setup_inputs()
    print(jax.jit(kernel)(*tuple(_d.values())))

</pallas_src>

<mosaic_0001>
#map = affine_map<(d0, d1) -> (0, 0)>
#map1 = affine_map<(d0, d1) -> (0)>
module attributes {stable_mosaic.version = 14 : i64} {
  func.func @k(%arg0: i32, %arg1: i32, %arg2: memref<24576x128xf32, #tpu.memory_space<hbm>>, %arg3: memref<73728xi32, #tpu.memory_space<hbm>>, %arg4: memref<73728x128xf32, #tpu.memory_space<hbm>>, %arg5: memref<128xi32, #tpu.memory_space<vmem>>, %arg6: memref<128xi32, #tpu.memory_space<vmem>>, %arg7: memref<128xi32, #tpu.memory_space<vmem>>, %arg8: memref<128xi32, #tpu.memory_space<vmem>>, %arg9: memref<128xi32, #tpu.memory_space<vmem>>, %arg10: memref<128xi32, #tpu.memory_space<vmem>>, %arg11: memref<128x128xf32, #tpu.memory_space<vmem>>, %arg12: memref<128x128xf32, #tpu.memory_space<vmem>>, %arg13: memref<128x128xf32, #tpu.memory_space<vmem>>, %arg14: memref<128x128xf32, #tpu.memory_space<vmem>>, %arg15: memref<128x128xf32, #tpu.memory_space<vmem>>, %arg16: memref<128x128xf32, #tpu.memory_space<vmem>>, %arg17: memref<!tpu.dma_semaphore, #tpu.memory_space<semaphore_mem>>) attributes {dimension_semantics = [#tpu.dimension_semantics<core_parallel>, #tpu.dimension_semantics<subcore_parallel>], iteration_bounds = array<i64: 2, 16>, scalar_prefetch = 0 : i64, scratch_operands = 13 : i64, tpu.core_type = #tpu.core_type<sc_vector_subcore>, window_params = [{transform_indices = #map}, {transform_indices = #map1}, {transform_indices = #map}]} {
    %mul3A = arith.constant 2 : i32
    %mul3A_0 = arith.muli %arg1, %mul3A : i32
    %add3A = arith.addi %mul3A_0, %arg0 : i32
    %mul3A_1 = arith.constant 2304 : i32
    %mul3A_2 = arith.muli %add3A, %mul3A_1 : i32
    %scan3A = arith.constant 0 : i32
    %scan3A_3 = arith.constant 0 : i32
    %scan3A_4 = arith.constant 3 : i32
    %scan3A_5 = arith.addi %scan3A_3, %scan3A_4 : i32
    %scan3A_6 = arith.constant 1 : i32
    scf.for %scan3A_8 = %scan3A_3 to %scan3A_5 step %scan3A_6  : i32 {
      %mul3A_9 = arith.constant 768 : i32
      %mul3A_10 = arith.muli %scan3A_8, %mul3A_9 : i32
      %add3A_11 = arith.addi %mul3A_2, %mul3A_10 : i32
      %add3A_12 = arith.constant 0 : i32
      %add3A_13 = arith.addi %add3A_11, %add3A_12 : i32
      "tpu.region"() ({
        %run_scoped3A = tpu.sem_alloc : memref<!tpu.dma_semaphore, #tpu.memory_space<semaphore_mem>>
        %dma_start3A_70 = tpu.memref_slice %arg3[%add3A_13] : memref<73728xi32, #tpu.memory_space<hbm>> -> memref<128xi32, #tpu.memory_space<hbm>>
        %dma_start3A_71 = tpu.memref_slice %arg3[%add3A_13] : memref<73728xi32, #tpu.memory_space<hbm>> -> memref<128xi32, #tpu.memory_space<hbm>>
        tpu.enqueue_dma source(%dma_start3A_71 : memref<128xi32, #tpu.memory_space<hbm>>) target(%arg5 : memref<128xi32, #tpu.memory_space<vmem>>) target_semaphore(%run_scoped3A : memref<!tpu.dma_semaphore, #tpu.memory_space<semaphore_mem>>)
        %dma_wait3A_72 = tpu.memref_slice %arg3[%add3A_13] : memref<73728xi32, #tpu.memory_space<hbm>> -> memref<128xi32, #tpu.memory_space<hbm>>
        %dma_wait3A_73 = tpu.memref_slice %arg3[%add3A_13] : memref<73728xi32, #tpu.memory_space<hbm>> -> memref<128xi32, #tpu.memory_space<hbm>>
        tpu.wait_dma2 semaphore(%run_scoped3A : memref<!tpu.dma_semaphore, #tpu.memory_space<semaphore_mem>>) src(%dma_wait3A_73 : memref<128xi32, #tpu.memory_space<hbm>>) dst(%arg5 : memref<128xi32, #tpu.memory_space<vmem>>)
        tpu.yield
      }) : () -> ()
      %dma_start3A = arith.constant 0 : i32
      %dma_start3A_14 = arith.constant 0 : i32
      %dma_start3A_15 = tpu.memref_slice %arg2[%dma_start3A, %dma_start3A_14] : memref<24576x128xf32, #tpu.memory_space<hbm>> -> memref<24576x128xf32, #tpu.memory_space<hbm>>
      tpu.enqueue_indirect_dma source(%dma_start3A_15 : memref<24576x128xf32, #tpu.memory_space<hbm>>) target(%arg11 : memref<128x128xf32, #tpu.memory_space<vmem>>) offsets(%arg5 : memref<128xi32, #tpu.memory_space<vmem>>) semaphore(%arg17 : memref<!tpu.dma_semaphore, #tpu.memory_space<semaphore_mem>>)
      %add3A_16 = arith.constant 128 : i32
      %add3A_17 = arith.addi %add3A_11, %add3A_16 : i32
      "tpu.region"() ({
        %run_scoped3A = tpu.sem_alloc : memref<!tpu.dma_semaphore, #tpu.memory_space<semaphore_mem>>
        %dma_start3A_70 = tpu.memref_slice %arg3[%add3A_17] : memref<73728xi32, #tpu.memory_space<hbm>> -> memref<128xi32, #tpu.memory_space<hbm>>
        %dma_start3A_71 = tpu.memref_slice %arg3[%add3A_17] : memref<73728xi32, #tpu.memory_space<hbm>> -> memref<128xi32, #tpu.memory_space<hbm>>
        tpu.enqueue_dma source(%dma_start3A_71 : memref<128xi32, #tpu.memory_space<hbm>>) target(%arg6 : memref<128xi32, #tpu.memory_space<vmem>>) target_semaphore(%run_scoped3A : memref<!tpu.dma_semaphore, #tpu.memory_space<semaphore_mem>>)
        %dma_wait3A_72 = tpu.memref_slice %arg3[%add3A_17] : memref<73728xi32, #tpu.memory_space<hbm>> -> memref<128xi32, #tpu.memory_space<hbm>>
        %dma_wait3A_73 = tpu.memref_slice %arg3[%add3A_17] : memref<73728xi32, #tpu.memory_space<hbm>> -> memref<128xi32, #tpu.memory_space<hbm>>
        tpu.wait_dma2 semaphore(%run_scoped3A : memref<!tpu.dma_semaphore, #tpu.memory_space<semaphore_mem>>) src(%dma_wait3A_73 : memref<128xi32, #tpu.memory_space<hbm>>) dst(%arg6 : memref<128xi32, #tpu.memory_space<vmem>>)
        tpu.yield
      }) : () -> ()
      %dma_start3A_18 = arith.constant 0 : i32
      %dma_start3A_19 = arith.constant 0 : i32
      %dma_start3A_20 = tpu.memref_slice %arg2[%dma_start3A_18, %dma_start3A_19] : memref<24576x128xf32, #tpu.memory_space<hbm>> -> memref<24576x128xf32, #tpu.memory_space<hbm>>
      tpu.enqueue_indirect_dma source(%dma_start3A_20 : memref<24576x128xf32, #tpu.memory_space<hbm>>) target(%arg12 : memref<128x128xf32, #tpu.memory_space<vmem>>) offsets(%arg6 : memref<128xi32, #tpu.memory_space<vmem>>) semaphore(%arg17 : memref<!tpu.dma_semaphore, #tpu.memory_space<semaphore_mem>>)
      %add3A_21 = arith.constant 256 : i32
      %add3A_22 = arith.addi %add3A_11, %add3A_21 : i32
      "tpu.region"() ({
        %run_scoped3A = tpu.sem_alloc : memref<!tpu.dma_semaphore, #tpu.memory_space<semaphore_mem>>
        %dma_start3A_70 = tpu.memref_slice %arg3[%add3A_22] : memref<73728xi32, #tpu.memory_space<hbm>> -> memref<128xi32, #tpu.memory_space<hbm>>
        %dma_start3A_71 = tpu.memref_slice %arg3[%add3A_22] : memref<73728xi32, #tpu.memory_space<hbm>> -> memref<128xi32, #tpu.memory_space<hbm>>
        tpu.enqueue_dma source(%dma_start3A_71 : memref<128xi32, #tpu.memory_space<hbm>>) target(%arg7 : memref<128xi32, #tpu.memory_space<vmem>>) target_semaphore(%run_scoped3A : memref<!tpu.dma_semaphore, #tpu.memory_space<semaphore_mem>>)
        %dma_wait3A_72 = tpu.memref_slice %arg3[%add3A_22] : memref<73728xi32, #tpu.memory_space<hbm>> -> memref<128xi32, #tpu.memory_space<hbm>>
        %dma_wait3A_73 = tpu.memref_slice %arg3[%add3A_22] : memref<73728xi32, #tpu.memory_space<hbm>> -> memref<128xi32, #tpu.memory_space<hbm>>
        tpu.wait_dma2 semaphore(%run_scoped3A : memref<!tpu.dma_semaphore, #tpu.memory_space<semaphore_mem>>) src(%dma_wait3A_73 : memref<128xi32, #tpu.memory_space<hbm>>) dst(%arg7 : memref<128xi32, #tpu.memory_space<vmem>>)
        tpu.yield
      }) : () -> ()
      %dma_start3A_23 = arith.constant 0 : i32
      %dma_start3A_24 = arith.constant 0 : i32
      %dma_start3A_25 = tpu.memref_slice %arg2[%dma_start3A_23, %dma_start3A_24] : memref<24576x128xf32, #tpu.memory_space<hbm>> -> memref<24576x128xf32, #tpu.memory_space<hbm>>
      tpu.enqueue_indirect_dma source(%dma_start3A_25 : memref<24576x128xf32, #tpu.memory_space<hbm>>) target(%arg13 : memref<128x128xf32, #tpu.memory_space<vmem>>) offsets(%arg7 : memref<128xi32, #tpu.memory_space<vmem>>) semaphore(%arg17 : memref<!tpu.dma_semaphore, #tpu.memory_space<semaphore_mem>>)
      %add3A_26 = arith.constant 384 : i32
      %add3A_27 = arith.addi %add3A_11, %add3A_26 : i32
      "tpu.region"() ({
        %run_scoped3A = tpu.sem_alloc : memref<!tpu.dma_semaphore, #tpu.memory_space<semaphore_mem>>
        %dma_start3A_70 = tpu.memref_slice %arg3[%add3A_27] : memref<73728xi32, #tpu.memory_space<hbm>> -> memref<128xi32, #tpu.memory_space<hbm>>
        %dma_start3A_71 = tpu.memref_slice %arg3[%add3A_27] : memref<73728xi32, #tpu.memory_space<hbm>> -> memref<128xi32, #tpu.memory_space<hbm>>
        tpu.enqueue_dma source(%dma_start3A_71 : memref<128xi32, #tpu.memory_space<hbm>>) target(%arg8 : memref<128xi32, #tpu.memory_space<vmem>>) target_semaphore(%run_scoped3A : memref<!tpu.dma_semaphore, #tpu.memory_space<semaphore_mem>>)
        %dma_wait3A_72 = tpu.memref_slice %arg3[%add3A_27] : memref<73728xi32, #tpu.memory_space<hbm>> -> memref<128xi32, #tpu.memory_space<hbm>>
        %dma_wait3A_73 = tpu.memref_slice %arg3[%add3A_27] : memref<73728xi32, #tpu.memory_space<hbm>> -> memref<128xi32, #tpu.memory_space<hbm>>
        tpu.wait_dma2 semaphore(%run_scoped3A : memref<!tpu.dma_semaphore, #tpu.memory_space<semaphore_mem>>) src(%dma_wait3A_73 : memref<128xi32, #tpu.memory_space<hbm>>) dst(%arg8 : memref<128xi32, #tpu.memory_space<vmem>>)
        tpu.yield
      }) : () -> ()
      %dma_start3A_28 = arith.constant 0 : i32
      %dma_start3A_29 = arith.constant 0 : i32
      %dma_start3A_30 = tpu.memref_slice %arg2[%dma_start3A_28, %dma_start3A_29] : memref<24576x128xf32, #tpu.memory_space<hbm>> -> memref<24576x128xf32, #tpu.memory_space<hbm>>
      tpu.enqueue_indirect_dma source(%dma_start3A_30 : memref<24576x128xf32, #tpu.memory_space<hbm>>) target(%arg14 : memref<128x128xf32, #tpu.memory_space<vmem>>) offsets(%arg8 : memref<128xi32, #tpu.memory_space<vmem>>) semaphore(%arg17 : memref<!tpu.dma_semaphore, #tpu.memory_space<semaphore_mem>>)
      %add3A_31 = arith.constant 512 : i32
      %add3A_32 = arith.addi %add3A_11, %add3A_31 : i32
      "tpu.region"() ({
        %run_scoped3A = tpu.sem_alloc : memref<!tpu.dma_semaphore, #tpu.memory_space<semaphore_mem>>
        %dma_start3A_70 = tpu.memref_slice %arg3[%add3A_32] : memref<73728xi32, #tpu.memory_space<hbm>> -> memref<128xi32, #tpu.memory_space<hbm>>
        %dma_start3A_71 = tpu.memref_slice %arg3[%add3A_32] : memref<73728xi32, #tpu.memory_space<hbm>> -> memref<128xi32, #tpu.memory_space<hbm>>
        tpu.enqueue_dma source(%dma_start3A_71 : memref<128xi32, #tpu.memory_space<hbm>>) target(%arg9 : memref<128xi32, #tpu.memory_space<vmem>>) target_semaphore(%run_scoped3A : memref<!tpu.dma_semaphore, #tpu.memory_space<semaphore_mem>>)
        %dma_wait3A_72 = tpu.memref_slice %arg3[%add3A_32] : memref<73728xi32, #tpu.memory_space<hbm>> -> memref<128xi32, #tpu.memory_space<hbm>>
        %dma_wait3A_73 = tpu.memref_slice %arg3[%add3A_32] : memref<73728xi32, #tpu.memory_space<hbm>> -> memref<128xi32, #tpu.memory_space<hbm>>
        tpu.wait_dma2 semaphore(%run_scoped3A : memref<!tpu.dma_semaphore, #tpu.memory_space<semaphore_mem>>) src(%dma_wait3A_73 : memref<128xi32, #tpu.memory_space<hbm>>) dst(%arg9 : memref<128xi32, #tpu.memory_space<vmem>>)
        tpu.yield
      }) : () -> ()
      %dma_start3A_33 = arith.constant 0 : i32
      %dma_start3A_34 = arith.constant 0 : i32
      %dma_start3A_35 = tpu.memref_slice %arg2[%dma_start3A_33, %dma_start3A_34] : memref<24576x128xf32, #tpu.memory_space<hbm>> -> memref<24576x128xf32, #tpu.memory_space<hbm>>
      tpu.enqueue_indirect_dma source(%dma_start3A_35 : memref<24576x128xf32, #tpu.memory_space<hbm>>) target(%arg15 : memref<128x128xf32, #tpu.memory_space<vmem>>) offsets(%arg9 : memref<128xi32, #tpu.memory_space<vmem>>) semaphore(%arg17 : memref<!tpu.dma_semaphore, #tpu.memory_space<semaphore_mem>>)
      %add3A_36 = arith.constant 640 : i32
      %add3A_37 = arith.addi %add3A_11, %add3A_36 : i32
      "tpu.region"() ({
        %run_scoped3A = tpu.sem_alloc : memref<!tpu.dma_semaphore, #tpu.memory_space<semaphore_mem>>
        %dma_start3A_70 = tpu.memref_slice %arg3[%add3A_37] : memref<73728xi32, #tpu.memory_space<hbm>> -> memref<128xi32, #tpu.memory_space<hbm>>
        %dma_start3A_71 = tpu.memref_slice %arg3[%add3A_37] : memref<73728xi32, #tpu.memory_space<hbm>> -> memref<128xi32, #tpu.memory_space<hbm>>
        tpu.enqueue_dma source(%dma_start3A_71 : memref<128xi32, #tpu.memory_space<hbm>>) target(%arg10 : memref<128xi32, #tpu.memory_space<vmem>>) target_semaphore(%run_scoped3A : memref<!tpu.dma_semaphore, #tpu.memory_space<semaphore_mem>>)
        %dma_wait3A_72 = tpu.memref_slice %arg3[%add3A_37] : memref<73728xi32, #tpu.memory_space<hbm>> -> memref<128xi32, #tpu.memory_space<hbm>>
        %dma_wait3A_73 = tpu.memref_slice %arg3[%add3A_37] : memref<73728xi32, #tpu.memory_space<hbm>> -> memref<128xi32, #tpu.memory_space<hbm>>
        tpu.wait_dma2 semaphore(%run_scoped3A : memref<!tpu.dma_semaphore, #tpu.memory_space<semaphore_mem>>) src(%dma_wait3A_73 : memref<128xi32, #tpu.memory_space<hbm>>) dst(%arg10 : memref<128xi32, #tpu.memory_space<vmem>>)
        tpu.yield
      }) : () -> ()
      %dma_start3A_38 = arith.constant 0 : i32
      %dma_start3A_39 = arith.constant 0 : i32
      %dma_start3A_40 = tpu.memref_slice %arg2[%dma_start3A_38, %dma_start3A_39] : memref<24576x128xf32, #tpu.memory_space<hbm>> -> memref<24576x128xf32, #tpu.memory_space<hbm>>
      tpu.enqueue_indirect_dma source(%dma_start3A_40 : memref<24576x128xf32, #tpu.memory_space<hbm>>) target(%arg16 : memref<128x128xf32, #tpu.memory_space<vmem>>) offsets(%arg10 : memref<128xi32, #tpu.memory_space<vmem>>) semaphore(%arg17 : memref<!tpu.dma_semaphore, #tpu.memory_space<semaphore_mem>>)
      %dma_wait3A = arith.constant 0 : i32
      %dma_wait3A_41 = arith.constant 0 : i32
      %dma_wait3A_42 = tpu.memref_slice %arg2[%dma_wait3A, %dma_wait3A_41] : memref<24576x128xf32, #tpu.memory_space<hbm>> -> memref<24576x128xf32, #tpu.memory_space<hbm>>
      tpu.wait_indirect_dma semaphore(%arg17 : memref<!tpu.dma_semaphore, #tpu.memory_space<semaphore_mem>>) src(%dma_wait3A_42 : memref<24576x128xf32, #tpu.memory_space<hbm>>) dst(%arg11 : memref<128x128xf32, #tpu.memory_space<vmem>>)
      %add3A_43 = arith.constant 0 : i32
      %add3A_44 = arith.addi %add3A_11, %add3A_43 : i32
      "tpu.region"() ({
        %run_scoped3A = tpu.sem_alloc : memref<!tpu.dma_semaphore, #tpu.memory_space<semaphore_mem>>
        %dma_start3A_70 = arith.constant 0 : i32
        %dma_start3A_71 = tpu.memref_slice %arg4[%add3A_44, %dma_start3A_70] : memref<73728x128xf32, #tpu.memory_space<hbm>> -> memref<128x128xf32, #tpu.memory_space<hbm>>
        %dma_start3A_72 = arith.constant 0 : i32
        %dma_start3A_73 = tpu.memref_slice %arg4[%add3A_44, %dma_start3A_72] : memref<73728x128xf32, #tpu.memory_space<hbm>> -> memref<128x128xf32, #tpu.memory_space<hbm>>
        tpu.enqueue_dma source(%arg11 : memref<128x128xf32, #tpu.memory_space<vmem>>) target(%dma_start3A_73 : memref<128x128xf32, #tpu.memory_space<hbm>>) target_semaphore(%run_scoped3A : memref<!tpu.dma_semaphore, #tpu.memory_space<semaphore_mem>>)
        %dma_wait3A_74 = arith.constant 0 : i32
        %dma_wait3A_75 = tpu.memref_slice %arg4[%add3A_44, %dma_wait3A_74] : memref<73728x128xf32, #tpu.memory_space<hbm>> -> memref<128x128xf32, #tpu.memory_space<hbm>>
        %dma_wait3A_76 = arith.constant 0 : i32
        %dma_wait3A_77 = tpu.memref_slice %arg4[%add3A_44, %dma_wait3A_76] : memref<73728x128xf32, #tpu.memory_space<hbm>> -> memref<128x128xf32, #tpu.memory_space<hbm>>
        tpu.wait_dma2 semaphore(%run_scoped3A : memref<!tpu.dma_semaphore, #tpu.memory_space<semaphore_mem>>) src(%arg11 : memref<128x128xf32, #tpu.memory_space<vmem>>) dst(%dma_wait3A_77 : memref<128x128xf32, #tpu.memory_space<hbm>>)
        tpu.yield
      }) : () -> ()
      %dma_wait3A_45 = arith.constant 0 : i32
      %dma_wait3A_46 = arith.constant 0 : i32
      %dma_wait3A_47 = tpu.memref_slice %arg2[%dma_wait3A_45, %dma_wait3A_46] : memref<24576x128xf32, #tpu.memory_space<hbm>> -> memref<24576x128xf32, #tpu.memory_space<hbm>>
      tpu.wait_indirect_dma semaphore(%arg17 : memref<!tpu.dma_semaphore, #tpu.memory_space<semaphore_mem>>) src(%dma_wait3A_47 : memref<24576x128xf32, #tpu.memory_space<hbm>>) dst(%arg12 : memref<128x128xf32, #tpu.memory_space<vmem>>)
      %add3A_48 = arith.constant 128 : i32
      %add3A_49 = arith.addi %add3A_11, %add3A_48 : i32
      "tpu.region"() ({
        %run_scoped3A = tpu.sem_alloc : memref<!tpu.dma_semaphore, #tpu.memory_space<semaphore_mem>>
        %dma_start3A_70 = arith.constant 0 : i32
        %dma_start3A_71 = tpu.memref_slice %arg4[%add3A_49, %dma_start3A_70] : memref<73728x128xf32, #tpu.memory_space<hbm>> -> memref<128x128xf32, #tpu.memory_space<hbm>>
        %dma_start3A_72 = arith.constant 0 : i32
        %dma_start3A_73 = tpu.memref_slice %arg4[%add3A_49, %dma_start3A_72] : memref<73728x128xf32, #tpu.memory_space<hbm>> -> memref<128x128xf32, #tpu.memory_space<hbm>>
        tpu.enqueue_dma source(%arg12 : memref<128x128xf32, #tpu.memory_space<vmem>>) target(%dma_start3A_73 : memref<128x128xf32, #tpu.memory_space<hbm>>) target_semaphore(%run_scoped3A : memref<!tpu.dma_semaphore, #tpu.memory_space<semaphore_mem>>)
        %dma_wait3A_74 = arith.constant 0 : i32
        %dma_wait3A_75 = tpu.memref_slice %arg4[%add3A_49, %dma_wait3A_74] : memref<73728x128xf32, #tpu.memory_space<hbm>> -> memref<128x128xf32, #tpu.memory_space<hbm>>
        %dma_wait3A_76 = arith.constant 0 : i32
        %dma_wait3A_77 = tpu.memref_slice %arg4[%add3A_49, %dma_wait3A_76] : memref<73728x128xf32, #tpu.memory_space<hbm>> -> memref<128x128xf32, #tpu.memory_space<hbm>>
        tpu.wait_dma2 semaphore(%run_scoped3A : memref<!tpu.dma_semaphore, #tpu.memory_space<semaphore_mem>>) src(%arg12 : memref<128x128xf32, #tpu.memory_space<vmem>>) dst(%dma_wait3A_77 : memref<128x128xf32, #tpu.memory_space<hbm>>)
        tpu.yield
      }) : () -> ()
      %dma_wait3A_50 = arith.constant 0 : i32
      %dma_wait3A_51 = arith.constant 0 : i32
      %dma_wait3A_52 = tpu.memref_slice %arg2[%dma_wait3A_50, %dma_wait3A_51] : memref<24576x128xf32, #tpu.memory_space<hbm>> -> memref<24576x128xf32, #tpu.memory_space<hbm>>
      tpu.wait_indirect_dma semaphore(%arg17 : memref<!tpu.dma_semaphore, #tpu.memory_space<semaphore_mem>>) src(%dma_wait3A_52 : memref<24576x128xf32, #tpu.memory_space<hbm>>) dst(%arg13 : memref<128x128xf32, #tpu.memory_space<vmem>>)
      %add3A_53 = arith.constant 256 : i32
      %add3A_54 = arith.addi %add3A_11, %add3A_53 : i32
      "tpu.region"() ({
        %run_scoped3A = tpu.sem_alloc : memref<!tpu.dma_semaphore, #tpu.memory_space<semaphore_mem>>
        %dma_start3A_70 = arith.constant 0 : i32
        %dma_start3A_71 = tpu.memref_slice %arg4[%add3A_54, %dma_start3A_70] : memref<73728x128xf32, #tpu.memory_space<hbm>> -> memref<128x128xf32, #tpu.memory_space<hbm>>
        %dma_start3A_72 = arith.constant 0 : i32
        %dma_start3A_73 = tpu.memref_slice %arg4[%add3A_54, %dma_start3A_72] : memref<73728x128xf32, #tpu.memory_space<hbm>> -> memref<128x128xf32, #tpu.memory_space<hbm>>
        tpu.enqueue_dma source(%arg13 : memref<128x128xf32, #tpu.memory_space<vmem>>) target(%dma_start3A_73 : memref<128x128xf32, #tpu.memory_space<hbm>>) target_semaphore(%run_scoped3A : memref<!tpu.dma_semaphore, #tpu.memory_space<semaphore_mem>>)
        %dma_wait3A_74 = arith.constant 0 : i32
        %dma_wait3A_75 = tpu.memref_slice %arg4[%add3A_54, %dma_wait3A_74] : memref<73728x128xf32, #tpu.memory_space<hbm>> -> memref<128x128xf32, #tpu.memory_space<hbm>>
        %dma_wait3A_76 = arith.constant 0 : i32
        %dma_wait3A_77 = tpu.memref_slice %arg4[%add3A_54, %dma_wait3A_76] : memref<73728x128xf32, #tpu.memory_space<hbm>> -> memref<128x128xf32, #tpu.memory_space<hbm>>
        tpu.wait_dma2 semaphore(%run_scoped3A : memref<!tpu.dma_semaphore, #tpu.memory_space<semaphore_mem>>) src(%arg13 : memref<128x128xf32, #tpu.memory_space<vmem>>) dst(%dma_wait3A_77 : memref<128x128xf32, #tpu.memory_space<hbm>>)
        tpu.yield
      }) : () -> ()
      %dma_wait3A_55 = arith.constant 0 : i32
      %dma_wait3A_56 = arith.constant 0 : i32
      %dma_wait3A_57 = tpu.memref_slice %arg2[%dma_wait3A_55, %dma_wait3A_56] : memref<24576x128xf32, #tpu.memory_space<hbm>> -> memref<24576x128xf32, #tpu.memory_space<hbm>>
      tpu.wait_indirect_dma semaphore(%arg17 : memref<!tpu.dma_semaphore, #tpu.memory_space<semaphore_mem>>) src(%dma_wait3A_57 : memref<24576x128xf32, #tpu.memory_space<hbm>>) dst(%arg14 : memref<128x128xf32, #tpu.memory_space<vmem>>)
      %add3A_58 = arith.constant 384 : i32
      %add3A_59 = arith.addi %add3A_11, %add3A_58 : i32
      "tpu.region"() ({
        %run_scoped3A = tpu.sem_alloc : memref<!tpu.dma_semaphore, #tpu.memory_space<semaphore_mem>>
        %dma_start3A_70 = arith.constant 0 : i32
        %dma_start3A_71 = tpu.memref_slice %arg4[%add3A_59, %dma_start3A_70] : memref<73728x128xf32, #tpu.memory_space<hbm>> -> memref<128x128xf32, #tpu.memory_space<hbm>>
        %dma_start3A_72 = arith.constant 0 : i32
        %dma_start3A_73 = tpu.memref_slice %arg4[%add3A_59, %dma_start3A_72] : memref<73728x128xf32, #tpu.memory_space<hbm>> -> memref<128x128xf32, #tpu.memory_space<hbm>>
        tpu.enqueue_dma source(%arg14 : memref<128x128xf32, #tpu.memory_space<vmem>>) target(%dma_start3A_73 : memref<128x128xf32, #tpu.memory_space<hbm>>) target_semaphore(%run_scoped3A : memref<!tpu.dma_semaphore, #tpu.memory_space<semaphore_mem>>)
        %dma_wait3A_74 = arith.constant 0 : i32
        %dma_wait3A_75 = tpu.memref_slice %arg4[%add3A_59, %dma_wait3A_74] : memref<73728x128xf32, #tpu.memory_space<hbm>> -> memref<128x128xf32, #tpu.memory_space<hbm>>
        %dma_wait3A_76 = arith.constant 0 : i32
        %dma_wait3A_77 = tpu.memref_slice %arg4[%add3A_59, %dma_wait3A_76] : memref<73728x128xf32, #tpu.memory_space<hbm>> -> memref<128x128xf32, #tpu.memory_space<hbm>>
        tpu.wait_dma2 semaphore(%run_scoped3A : memref<!tpu.dma_semaphore, #tpu.memory_space<semaphore_mem>>) src(%arg14 : memref<128x128xf32, #tpu.memory_space<vmem>>) dst(%dma_wait3A_77 : memref<128x128xf32, #tpu.memory_space<hbm>>)
        tpu.yield
      }) : () -> ()
      %dma_wait3A_60 = arith.constant 0 : i32
      %dma_wait3A_61 = arith.constant 0 : i32
      %dma_wait3A_62 = tpu.memref_slice %arg2[%dma_wait3A_60, %dma_wait3A_61] : memref<24576x128xf32, #tpu.memory_space<hbm>> -> memref<24576x128xf32, #tpu.memory_space<hbm>>
      tpu.wait_indirect_dma semaphore(%arg17 : memref<!tpu.dma_semaphore, #tpu.memory_space<semaphore_mem>>) src(%dma_wait3A_62 : memref<24576x128xf32, #tpu.memory_space<hbm>>) dst(%arg15 : memref<128x128xf32, #tpu.memory_space<vmem>>)
      %add3A_63 = arith.constant 512 : i32
      %add3A_64 = arith.addi %add3A_11, %add3A_63 : i32
      "tpu.region"() ({
        %run_scoped3A = tpu.sem_alloc : memref<!tpu.dma_semaphore, #tpu.memory_space<semaphore_mem>>
        %dma_start3A_70 = arith.constant 0 : i32
        %dma_start3A_71 = tpu.memref_slice %arg4[%add3A_64, %dma_start3A_70] : memref<73728x128xf32, #tpu.memory_space<hbm>> -> memref<128x128xf32, #tpu.memory_space<hbm>>
        %dma_start3A_72 = arith.constant 0 : i32
        %dma_start3A_73 = tpu.memref_slice %arg4[%add3A_64, %dma_start3A_72] : memref<73728x128xf32, #tpu.memory_space<hbm>> -> memref<128x128xf32, #tpu.memory_space<hbm>>
        tpu.enqueue_dma source(%arg15 : memref<128x128xf32, #tpu.memory_space<vmem>>) target(%dma_start3A_73 : memref<128x128xf32, #tpu.memory_space<hbm>>) target_semaphore(%run_scoped3A : memref<!tpu.dma_semaphore, #tpu.memory_space<semaphore_mem>>)
        %dma_wait3A_74 = arith.constant 0 : i32
        %dma_wait3A_75 = tpu.memref_slice %arg4[%add3A_64, %dma_wait3A_74] : memref<73728x128xf32, #tpu.memory_space<hbm>> -> memref<128x128xf32, #tpu.memory_space<hbm>>
        %dma_wait3A_76 = arith.constant 0 : i32
        %dma_wait3A_77 = tpu.memref_slice %arg4[%add3A_64, %dma_wait3A_76] : memref<73728x128xf32, #tpu.memory_space<hbm>> -> memref<128x128xf32, #tpu.memory_space<hbm>>
        tpu.wait_dma2 semaphore(%run_scoped3A : memref<!tpu.dma_semaphore, #tpu.memory_space<semaphore_mem>>) src(%arg15 : memref<128x128xf32, #tpu.memory_space<vmem>>) dst(%dma_wait3A_77 : memref<128x128xf32, #tpu.memory_space<hbm>>)
        tpu.yield
      }) : () -> ()
      %dma_wait3A_65 = arith.constant 0 : i32
      %dma_wait3A_66 = arith.constant 0 : i32
      %dma_wait3A_67 = tpu.memref_slice %arg2[%dma_wait3A_65, %dma_wait3A_66] : memref<24576x128xf32, #tpu.memory_space<hbm>> -> memref<24576x128xf32, #tpu.memory_space<hbm>>
      tpu.wait_indirect_dma semaphore(%arg17 : memref<!tpu.dma_semaphore, #tpu.memory_space<semaphore_mem>>) src(%dma_wait3A_67 : memref<24576x128xf32, #tpu.memory_space<hbm>>) dst(%arg16 : memref<128x128xf32, #tpu.memory_space<vmem>>)
      %add3A_68 = arith.constant 640 : i32
      %add3A_69 = arith.addi %add3A_11, %add3A_68 : i32
      "tpu.region"() ({
        %run_scoped3A = tpu.sem_alloc : memref<!tpu.dma_semaphore, #tpu.memory_space<semaphore_mem>>
        %dma_start3A_70 = arith.constant 0 : i32
        %dma_start3A_71 = tpu.memref_slice %arg4[%add3A_69, %dma_start3A_70] : memref<73728x128xf32, #tpu.memory_space<hbm>> -> memref<128x128xf32, #tpu.memory_space<hbm>>
        %dma_start3A_72 = arith.constant 0 : i32
        %dma_start3A_73 = tpu.memref_slice %arg4[%add3A_69, %dma_start3A_72] : memref<73728x128xf32, #tpu.memory_space<hbm>> -> memref<128x128xf32, #tpu.memory_space<hbm>>
        tpu.enqueue_dma source(%arg16 : memref<128x128xf32, #tpu.memory_space<vmem>>) target(%dma_start3A_73 : memref<128x128xf32, #tpu.memory_space<hbm>>) target_semaphore(%run_scoped3A : memref<!tpu.dma_semaphore, #tpu.memory_space<semaphore_mem>>)
        %dma_wait3A_74 = arith.constant 0 : i32
        %dma_wait3A_75 = tpu.memref_slice %arg4[%add3A_69, %dma_wait3A_74] : memref<73728x128xf32, #tpu.memory_space<hbm>> -> memref<128x128xf32, #tpu.memory_space<hbm>>
        %dma_wait3A_76 = arith.constant 0 : i32
        %dma_wait3A_77 = tpu.memref_slice %arg4[%add3A_69, %dma_wait3A_76] : memref<73728x128xf32, #tpu.memory_space<hbm>> -> memref<128x128xf32, #tpu.memory_space<hbm>>
        tpu.wait_dma2 semaphore(%run_scoped3A : memref<!tpu.dma_semaphore, #tpu.memory_space<semaphore_mem>>) src(%arg16 : memref<128x128xf32, #tpu.memory_space<vmem>>) dst(%dma_wait3A_77 : memref<128x128xf32, #tpu.memory_space<hbm>>)
        tpu.yield
      }) : () -> ()
    }
    %scan3A_7 = arith.constant 3 : i32
    return
  }
}

#map = affine_map<(d0, d1) -> (0, 0)>
#map1 = affine_map<(d0, d1) -> (0)>
module attributes {stable_mosaic.version = 14 : i64} {
  func.func @k(%arg0: i32, %arg1: i32, %arg2: memref<24576x128xf32, #tpu.memory_space<hbm>>, %arg3: memref<73728xi32, #tpu.memory_space<hbm>>, %arg4: memref<73728x128xf32, #tpu.memory_space<hbm>>, %arg5: memref<128xi32, #tpu.memory_space<vmem>>, %arg6: memref<128xi32, #tpu.memory_space<vmem>>, %arg7: memref<128xi32, #tpu.memory_space<vmem>>, %arg8: memref<128xi32, #tpu.memory_space<vmem>>, %arg9: memref<128xi32, #tpu.memory_space<vmem>>, %arg10: memref<128xi32, #tpu.memory_space<vmem>>, %arg11: memref<128x128xf32, #tpu.memory_space<vmem>>, %arg12: memref<128x128xf32, #tpu.memory_space<vmem>>, %arg13: memref<128x128xf32, #tpu.memory_space<vmem>>, %arg14: memref<128x128xf32, #tpu.memory_space<vmem>>, %arg15: memref<128x128xf32, #tpu.memory_space<vmem>>, %arg16: memref<128x128xf32, #tpu.memory_space<vmem>>, %arg17: memref<!tpu.dma_semaphore, #tpu.memory_space<semaphore_mem>>) attributes {dimension_semantics = [#tpu.dimension_semantics<core_parallel>, #tpu.dimension_semantics<subcore_parallel>], iteration_bounds = array<i64: 2, 16>, scalar_prefetch = 0 : i64, scratch_operands = 13 : i64, tpu.core_type = #tpu.core_type<sc_vector_subcore>, window_params = [{transform_indices = #map}, {transform_indices = #map1}, {transform_indices = #map}]} {
    %mul3A = arith.constant 2 : i32
    %mul3A_0 = arith.muli %arg1, %mul3A : i32
    %add3A = arith.addi %mul3A_0, %arg0 : i32
    %mul3A_1 = arith.constant 2304 : i32
    %mul3A_2 = arith.muli %add3A, %mul3A_1 : i32
    %scan3A = arith.constant 0 : i32
    %scan3A_3 = arith.constant 0 : i32
    %scan3A_4 = arith.constant 3 : i32
    %scan3A_5 = arith.addi %scan3A_3, %scan3A_4 : i32
    %scan3A_6 = arith.constant 1 : i32
    scf.for %scan3A_8 = %scan3A_3 to %scan3A_5 step %scan3A_6  : i32 {
      %mul3A_9 = arith.constant 768 : i32
      %mul3A_10 = arith.muli %scan3A_8, %mul3A_9 : i32
      %add3A_11 = arith.addi %mul3A_2, %mul3A_10 : i32
      %add3A_12 = arith.constant 0 : i32
      %add3A_13 = arith.addi %add3A_11, %add3A_12 : i32
      "tpu.region"() ({
        %run_scoped3A = tpu.sem_alloc : memref<!tpu.dma_semaphore, #tpu.memory_space<semaphore_mem>>
        %dma_start3A_70 = tpu.memref_slice %arg3[%add3A_13] : memref<73728xi32, #tpu.memory_space<hbm>> -> memref<128xi32, #tpu.memory_space<hbm>>
        %dma_start3A_71 = tpu.memref_slice %arg3[%add3A_13] : memref<73728xi32, #tpu.memory_space<hbm>> -> memref<128xi32, #tpu.memory_space<hbm>>
        tpu.enqueue_dma source(%dma_start3A_71 : memref<128xi32, #tpu.memory_space<hbm>>) target(%arg5 : memref<128xi32, #tpu.memory_space<vmem>>) target_semaphore(%run_scoped3A : memref<!tpu.dma_semaphore, #tpu.memory_space<semaphore_mem>>)
        %dma_wait3A_72 = tpu.memref_slice %arg3[%add3A_13] : memref<73728xi32, #tpu.memory_space<hbm>> -> memref<128xi32, #tpu.memory_space<hbm>>
        %dma_wait3A_73 = tpu.memref_slice %arg3[%add3A_13] : memref<73728xi32, #tpu.memory_space<hbm>> -> memref<128xi32, #tpu.memory_space<hbm>>
        tpu.wait_dma2 semaphore(%run_scoped3A : memref<!tpu.dma_semaphore, #tpu.memory_space<semaphore_mem>>) src(%dma_wait3A_73 : memref<128xi32, #tpu.memory_space<hbm>>) dst(%arg5 : memref<128xi32, #tpu.memory_space<vmem>>)
        tpu.yield
      }) : () -> ()
      %dma_start3A = arith.constant 0 : i32
      %dma_start3A_14 = arith.constant 0 : i32
      %dma_start3A_15 = tpu.memref_slice %arg2[%dma_start3A, %dma_start3A_14] : memref<24576x128xf32, #tpu.memory_space<hbm>> -> memref<24576x128xf32, #tpu.memory_space<hbm>>
      tpu.enqueue_indirect_dma source(%dma_start3A_15 : memref<24576x128xf32, #tpu.memory_space<hbm>>) target(%arg11 : memref<128x128xf32, #tpu.memory_space<vmem>>) offsets(%arg5 : memref<128xi32, #tpu.memory_space<vmem>>) semaphore(%arg17 : memref<!tpu.dma_semaphore, #tpu.memory_space<semaphore_mem>>)
      %add3A_16 = arith.constant 128 : i32
      %add3A_17 = arith.addi %add3A_11, %add3A_16 : i32
      "tpu.region"() ({
        %run_scoped3A = tpu.sem_alloc : memref<!tpu.dma_semaphore, #tpu.memory_space<semaphore_mem>>
        %dma_start3A_70 = tpu.memref_slice %arg3[%add3A_17] : memref<73728xi32, #tpu.memory_space<hbm>> -> memref<128xi32, #tpu.memory_space<hbm>>
        %dma_start3A_71 = tpu.memref_slice %arg3[%add3A_17] : memref<73728xi32, #tpu.memory_space<hbm>> -> memref<128xi32, #tpu.memory_space<hbm>>
        tpu.enqueue_dma source(%dma_start3A_71 : memref<128xi32, #tpu.memory_space<hbm>>) target(%arg6 : memref<128xi32, #tpu.memory_space<vmem>>) target_semaphore(%run_scoped3A : memref<!tpu.dma_semaphore, #tpu.memory_space<semaphore_mem>>)
        %dma_wait3A_72 = tpu.memref_slice %arg3[%add3A_17] : memref<73728xi32, #tpu.memory_space<hbm>> -> memref<128xi32, #tpu.memory_space<hbm>>
        %dma_wait3A_73 = tpu.memref_slice %arg3[%add3A_17] : memref<73728xi32, #tpu.memory_space<hbm>> -> memref<128xi32, #tpu.memory_space<hbm>>
        tpu.wait_dma2 semaphore(%run_scoped3A : memref<!tpu.dma_semaphore, #tpu.memory_space<semaphore_mem>>) src(%dma_wait3A_73 : memref<128xi32, #tpu.memory_space<hbm>>) dst(%arg6 : memref<128xi32, #tpu.memory_space<vmem>>)
        tpu.yield
      }) : () -> ()
      %dma_start3A_18 = arith.constant 0 : i32
      %dma_start3A_19 = arith.constant 0 : i32
      %dma_start3A_20 = tpu.memref_slice %arg2[%dma_start3A_18, %dma_start3A_19] : memref<24576x128xf32, #tpu.memory_space<hbm>> -> memref<24576x128xf32, #tpu.memory_space<hbm>>
      tpu.enqueue_indirect_dma source(%dma_start3A_20 : memref<24576x128xf32, #tpu.memory_space<hbm>>) target(%arg12 : memref<128x128xf32, #tpu.memory_space<vmem>>) offsets(%arg6 : memref<128xi32, #tpu.memory_space<vmem>>) semaphore(%arg17 : memref<!tpu.dma_semaphore, #tpu.memory_space<semaphore_mem>>)
      %add3A_21 = arith.constant 256 : i32
      %add3A_22 = arith.addi %add3A_11, %add3A_21 : i32
      "tpu.region"() ({
        %run_scoped3A = tpu.sem_alloc : memref<!tpu.dma_semaphore, #tpu.memory_space<semaphore_mem>>
        %dma_start3A_70 = tpu.memref_slice %arg3[%add3A_22] : memref<73728xi32, #tpu.memory_space<hbm>> -> memref<128xi32, #tpu.memory_space<hbm>>
        %dma_start3A_71 = tpu.memref_slice %arg3[%add3A_22] : memref<73728xi32, #tpu.memory_space<hbm>> -> memref<128xi32, #tpu.memory_space<hbm>>
        tpu.enqueue_dma source(%dma_start3A_71 : memref<128xi32, #tpu.memory_space<hbm>>) target(%arg7 : memref<128xi32, #tpu.memory_space<vmem>>) target_semaphore(%run_scoped3A : memref<!tpu.dma_semaphore, #tpu.memory_space<semaphore_mem>>)
        %dma_wait3A_72 = tpu.memref_slice %arg3[%add3A_22] : memref<73728xi32, #tpu.memory_space<hbm>> -> memref<128xi32, #tpu.memory_space<hbm>>
        %dma_wait3A_73 = tpu.memref_slice %arg3[%add3A_22] : memref<73728xi32, #tpu.memory_space<hbm>> -> memref<128xi32, #tpu.memory_space<hbm>>
        tpu.wait_dma2 semaphore(%run_scoped3A : memref<!tpu.dma_semaphore, #tpu.memory_space<semaphore_mem>>) src(%dma_wait3A_73 : memref<128xi32, #tpu.memory_space<hbm>>) dst(%arg7 : memref<128xi32, #tpu.memory_space<vmem>>)
        tpu.yield
      }) : () -> ()
      %dma_start3A_23 = arith.constant 0 : i32
      %dma_start3A_24 = arith.constant 0 : i32
      %dma_start3A_25 = tpu.memref_slice %arg2[%dma_start3A_23, %dma_start3A_24] : memref<24576x128xf32, #tpu.memory_space<hbm>> -> memref<24576x128xf32, #tpu.memory_space<hbm>>
      tpu.enqueue_indirect_dma source(%dma_start3A_25 : memref<24576x128xf32, #tpu.memory_space<hbm>>) target(%arg13 : memref<128x128xf32, #tpu.memory_space<vmem>>) offsets(%arg7 : memref<128xi32, #tpu.memory_space<vmem>>) semaphore(%arg17 : memref<!tpu.dma_semaphore, #tpu.memory_space<semaphore_mem>>)
      %add3A_26 = arith.constant 384 : i32
      %add3A_27 = arith.addi %add3A_11, %add3A_26 : i32
      "tpu.region"() ({
        %run_scoped3A = tpu.sem_alloc : memref<!tpu.dma_semaphore, #tpu.memory_space<semaphore_mem>>
        %dma_start3A_70 = tpu.memref_slice %arg3[%add3A_27] : memref<73728xi32, #tpu.memory_space<hbm>> -> memref<128xi32, #tpu.memory_space<hbm>>
        %dma_start3A_71 = tpu.memref_slice %arg3[%add3A_27] : memref<73728xi32, #tpu.memory_space<hbm>> -> memref<128xi32, #tpu.memory_space<hbm>>
        tpu.enqueue_dma source(%dma_start3A_71 : memref<128xi32, #tpu.memory_space<hbm>>) target(%arg8 : memref<128xi32, #tpu.memory_space<vmem>>) target_semaphore(%run_scoped3A : memref<!tpu.dma_semaphore, #tpu.memory_space<semaphore_mem>>)
        %dma_wait3A_72 = tpu.memref_slice %arg3[%add3A_27] : memref<73728xi32, #tpu.memory_space<hbm>> -> memref<128xi32, #tpu.memory_space<hbm>>
        %dma_wait3A_73 = tpu.memref_slice %arg3[%add3A_27] : memref<73728xi32, #tpu.memory_space<hbm>> -> memref<128xi32, #tpu.memory_space<hbm>>
        tpu.wait_dma2 semaphore(%run_scoped3A : memref<!tpu.dma_semaphore, #tpu.memory_space<semaphore_mem>>) src(%dma_wait3A_73 : memref<128xi32, #tpu.memory_space<hbm>>) dst(%arg8 : memref<128xi32, #tpu.memory_space<vmem>>)
        tpu.yield
      }) : () -> ()
      %dma_start3A_28 = arith.constant 0 : i32
      %dma_start3A_29 = arith.constant 0 : i32
      %dma_start3A_30 = tpu.memref_slice %arg2[%dma_start3A_28, %dma_start3A_29] : memref<24576x128xf32, #tpu.memory_space<hbm>> -> memref<24576x128xf32, #tpu.memory_space<hbm>>
      tpu.enqueue_indirect_dma source(%dma_start3A_30 : memref<24576x128xf32, #tpu.memory_space<hbm>>) target(%arg14 : memref<128x128xf32, #tpu.memory_space<vmem>>) offsets(%arg8 : memref<128xi32, #tpu.memory_space<vmem>>) semaphore(%arg17 : memref<!tpu.dma_semaphore, #tpu.memory_space<semaphore_mem>>)
      %add3A_31 = arith.constant 512 : i32
      %add3A_32 = arith.addi %add3A_11, %add3A_31 : i32
      "tpu.region"() ({
        %run_scoped3A = tpu.sem_alloc : memref<!tpu.dma_semaphore, #tpu.memory_space<semaphore_mem>>
        %dma_start3A_70 = tpu.memref_slice %arg3[%add3A_32] : memref<73728xi32, #tpu.memory_space<hbm>> -> memref<128xi32, #tpu.memory_space<hbm>>
        %dma_start3A_71 = tpu.memref_slice %arg3[%add3A_32] : memref<73728xi32, #tpu.memory_space<hbm>> -> memref<128xi32, #tpu.memory_space<hbm>>
        tpu.enqueue_dma source(%dma_start3A_71 : memref<128xi32, #tpu.memory_space<hbm>>) target(%arg9 : memref<128xi32, #tpu.memory_space<vmem>>) target_semaphore(%run_scoped3A : memref<!tpu.dma_semaphore, #tpu.memory_space<semaphore_mem>>)
        %dma_wait3A_72 = tpu.memref_slice %arg3[%add3A_32] : memref<73728xi32, #tpu.memory_space<hbm>> -> memref<128xi32, #tpu.memory_space<hbm>>
        %dma_wait3A_73 = tpu.memref_slice %arg3[%add3A_32] : memref<73728xi32, #tpu.memory_space<hbm>> -> memref<128xi32, #tpu.memory_space<hbm>>
        tpu.wait_dma2 semaphore(%run_scoped3A : memref<!tpu.dma_semaphore, #tpu.memory_space<semaphore_mem>>) src(%dma_wait3A_73 : memref<128xi32, #tpu.memory_space<hbm>>) dst(%arg9 : memref<128xi32, #tpu.memory_space<vmem>>)
        tpu.yield
      }) : () -> ()
      %dma_start3A_33 = arith.constant 0 : i32
      %dma_start3A_34 = arith.constant 0 : i32
      %dma_start3A_35 = tpu.memref_slice %arg2[%dma_start3A_33, %dma_start3A_34] : memref<24576x128xf32, #tpu.memory_space<hbm>> -> memref<24576x128xf32, #tpu.memory_space<hbm>>
      tpu.enqueue_indirect_dma source(%dma_start3A_35 : memref<24576x128xf32, #tpu.memory_space<hbm>>) target(%arg15 : memref<128x128xf32, #tpu.memory_space<vmem>>) offsets(%arg9 : memref<128xi32, #tpu.memory_space<vmem>>) semaphore(%arg17 : memref<!tpu.dma_semaphore, #tpu.memory_space<semaphore_mem>>)
      %add3A_36 = arith.constant 640 : i32
      %add3A_37 = arith.addi %add3A_11, %add3A_36 : i32
      "tpu.region"() ({
        %run_scoped3A = tpu.sem_alloc : memref<!tpu.dma_semaphore, #tpu.memory_space<semaphore_mem>>
        %dma_start3A_70 = tpu.memref_slice %arg3[%add3A_37] : memref<73728xi32, #tpu.memory_space<hbm>> -> memref<128xi32, #tpu.memory_space<hbm>>
        %dma_start3A_71 = tpu.memref_slice %arg3[%add3A_37] : memref<73728xi32, #tpu.memory_space<hbm>> -> memref<128xi32, #tpu.memory_space<hbm>>
        tpu.enqueue_dma source(%dma_start3A_71 : memref<128xi32, #tpu.memory_space<hbm>>) target(%arg10 : memref<128xi32, #tpu.memory_space<vmem>>) target_semaphore(%run_scoped3A : memref<!tpu.dma_semaphore, #tpu.memory_space<semaphore_mem>>)
        %dma_wait3A_72 = tpu.memref_slice %arg3[%add3A_37] : memref<73728xi32, #tpu.memory_space<hbm>> -> memref<128xi32, #tpu.memory_space<hbm>>
        %dma_wait3A_73 = tpu.memref_slice %arg3[%add3A_37] : memref<73728xi32, #tpu.memory_space<hbm>> -> memref<128xi32, #tpu.memory_space<hbm>>
        tpu.wait_dma2 semaphore(%run_scoped3A : memref<!tpu.dma_semaphore, #tpu.memory_space<semaphore_mem>>) src(%dma_wait3A_73 : memref<128xi32, #tpu.memory_space<hbm>>) dst(%arg10 : memref<128xi32, #tpu.memory_space<vmem>>)
        tpu.yield
      }) : () -> ()
      %dma_start3A_38 = arith.constant 0 : i32
      %dma_start3A_39 = arith.constant 0 : i32
      %dma_start3A_40 = tpu.memref_slice %arg2[%dma_start3A_38, %dma_start3A_39] : memref<24576x128xf32, #tpu.memory_space<hbm>> -> memref<24576x128xf32, #tpu.memory_space<hbm>>
      tpu.enqueue_indirect_dma source(%dma_start3A_40 : memref<24576x128xf32, #tpu.memory_space<hbm>>) target(%arg16 : memref<128x128xf32, #tpu.memory_space<vmem>>) offsets(%arg10 : memref<128xi32, #tpu.memory_space<vmem>>) semaphore(%arg17 : memref<!tpu.dma_semaphore, #tpu.memory_space<semaphore_mem>>)
      %dma_wait3A = arith.constant 0 : i32
      %dma_wait3A_41 = arith.constant 0 : i32
      %dma_wait3A_42 = tpu.memref_slice %arg2[%dma_wait3A, %dma_wait3A_41] : memref<24576x128xf32, #tpu.memory_space<hbm>> -> memref<24576x128xf32, #tpu.memory_space<hbm>>
      tpu.wait_indirect_dma semaphore(%arg17 : memref<!tpu.dma_semaphore, #tpu.memory_space<semaphore_mem>>) src(%dma_wait3A_42 : memref<24576x128xf32, #tpu.memory_space<hbm>>) dst(%arg11 : memref<128x128xf32, #tpu.memory_space<vmem>>)
      %add3A_43 = arith.constant 0 : i32
      %add3A_44 = arith.addi %add3A_11, %add3A_43 : i32
      "tpu.region"() ({
        %run_scoped3A = tpu.sem_alloc : memref<!tpu.dma_semaphore, #tpu.memory_space<semaphore_mem>>
        %dma_start3A_70 = arith.constant 0 : i32
        %dma_start3A_71 = tpu.memref_slice %arg4[%add3A_44, %dma_start3A_70] : memref<73728x128xf32, #tpu.memory_space<hbm>> -> memref<128x128xf32, #tpu.memory_space<hbm>>
        %dma_start3A_72 = arith.constant 0 : i32
        %dma_start3A_73 = tpu.memref_slice %arg4[%add3A_44, %dma_start3A_72] : memref<73728x128xf32, #tpu.memory_space<hbm>> -> memref<128x128xf32, #tpu.memory_space<hbm>>
        tpu.enqueue_dma source(%arg11 : memref<128x128xf32, #tpu.memory_space<vmem>>) target(%dma_start3A_73 : memref<128x128xf32, #tpu.memory_space<hbm>>) target_semaphore(%run_scoped3A : memref<!tpu.dma_semaphore, #tpu.memory_space<semaphore_mem>>)
        %dma_wait3A_74 = arith.constant 0 : i32
        %dma_wait3A_75 = tpu.memref_slice %arg4[%add3A_44, %dma_wait3A_74] : memref<73728x128xf32, #tpu.memory_space<hbm>> -> memref<128x128xf32, #tpu.memory_space<hbm>>
        %dma_wait3A_76 = arith.constant 0 : i32
        %dma_wait3A_77 = tpu.memref_slice %arg4[%add3A_44, %dma_wait3A_76] : memref<73728x128xf32, #tpu.memory_space<hbm>> -> memref<128x128xf32, #tpu.memory_space<hbm>>
        tpu.wait_dma2 semaphore(%run_scoped3A : memref<!tpu.dma_semaphore, #tpu.memory_space<semaphore_mem>>) src(%arg11 : memref<128x128xf32, #tpu.memory_space<vmem>>) dst(%dma_wait3A_77 : memref<128x128xf32, #tpu.memory_space<hbm>>)
        tpu.yield
      }) : () -> ()
      %dma_wait3A_45 = arith.constant 0 : i32
      %dma_wait3A_46 = arith.constant 0 : i32
      %dma_wait3A_47 = tpu.memref_slice %arg2[%dma_wait3A_45, %dma_wait3A_46] : memref<24576x128xf32, #tpu.memory_space<hbm>> -> memref<24576x128xf32, #tpu.memory_space<hbm>>
      tpu.wait_indirect_dma semaphore(%arg17 : memref<!tpu.dma_semaphore, #tpu.memory_space<semaphore_mem>>) src(%dma_wait3A_47 : memref<24576x128xf32, #tpu.memory_space<hbm>>) dst(%arg12 : memref<128x128xf32, #tpu.memory_space<vmem>>)
      %add3A_48 = arith.constant 128 : i32
      %add3A_49 = arith.addi %add3A_11, %add3A_48 : i32
      "tpu.region"() ({
        %run_scoped3A = tpu.sem_alloc : memref<!tpu.dma_semaphore, #tpu.memory_space<semaphore_mem>>
        %dma_start3A_70 = arith.constant 0 : i32
        %dma_start3A_71 = tpu.memref_slice %arg4[%add3A_49, %dma_start3A_70] : memref<73728x128xf32, #tpu.memory_space<hbm>> -> memref<128x128xf32, #tpu.memory_space<hbm>>
        %dma_start3A_72 = arith.constant 0 : i32
        %dma_start3A_73 = tpu.memref_slice %arg4[%add3A_49, %dma_start3A_72] : memref<73728x128xf32, #tpu.memory_space<hbm>> -> memref<128x128xf32, #tpu.memory_space<hbm>>
        tpu.enqueue_dma source(%arg12 : memref<128x128xf32, #tpu.memory_space<vmem>>) target(%dma_start3A_73 : memref<128x128xf32, #tpu.memory_space<hbm>>) target_semaphore(%run_scoped3A : memref<!tpu.dma_semaphore, #tpu.memory_space<semaphore_mem>>)
        %dma_wait3A_74 = arith.constant 0 : i32
        %dma_wait3A_75 = tpu.memref_slice %arg4[%add3A_49, %dma_wait3A_74] : memref<73728x128xf32, #tpu.memory_space<hbm>> -> memref<128x128xf32, #tpu.memory_space<hbm>>
        %dma_wait3A_76 = arith.constant 0 : i32
        %dma_wait3A_77 = tpu.memref_slice %arg4[%add3A_49, %dma_wait3A_76] : memref<73728x128xf32, #tpu.memory_space<hbm>> -> memref<128x128xf32, #tpu.memory_space<hbm>>
        tpu.wait_dma2 semaphore(%run_scoped3A : memref<!tpu.dma_semaphore, #tpu.memory_space<semaphore_mem>>) src(%arg12 : memref<128x128xf32, #tpu.memory_space<vmem>>) dst(%dma_wait3A_77 : memref<128x128xf32, #tpu.memory_space<hbm>>)
        tpu.yield
      }) : () -> ()
      %dma_wait3A_50 = arith.constant 0 : i32
      %dma_wait3A_51 = arith.constant 0 : i32
      %dma_wait3A_52 = tpu.memref_slice %arg2[%dma_wait3A_50, %dma_wait3A_51] : memref<24576x128xf32, #tpu.memory_space<hbm>> -> memref<24576x128xf32, #tpu.memory_space<hbm>>
      tpu.wait_indirect_dma semaphore(%arg17 : memref<!tpu.dma_semaphore, #tpu.memory_space<semaphore_mem>>) src(%dma_wait3A_52 : memref<24576x128xf32, #tpu.memory_space<hbm>>) dst(%arg13 : memref<128x128xf32, #tpu.memory_space<vmem>>)
      %add3A_53 = arith.constant 256 : i32
      %add3A_54 = arith.addi %add3A_11, %add3A_53 : i32
      "tpu.region"() ({
        %run_scoped3A = tpu.sem_alloc : memref<!tpu.dma_semaphore, #tpu.memory_space<semaphore_mem>>
        %dma_start3A_70 = arith.constant 0 : i32
        %dma_start3A_71 = tpu.memref_slice %arg4[%add3A_54, %dma_start3A_70] : memref<73728x128xf32, #tpu.memory_space<hbm>> -> memref<128x128xf32, #tpu.memory_space<hbm>>
        %dma_start3A_72 = arith.constant 0 : i32
        %dma_start3A_73 = tpu.memref_slice %arg4[%add3A_54, %dma_start3A_72] : memref<73728x128xf32, #tpu.memory_space<hbm>> -> memref<128x128xf32, #tpu.memory_space<hbm>>
        tpu.enqueue_dma source(%arg13 : memref<128x128xf32, #tpu.memory_space<vmem>>) target(%dma_start3A_73 : memref<128x128xf32, #tpu.memory_space<hbm>>) target_semaphore(%run_scoped3A : memref<!tpu.dma_semaphore, #tpu.memory_space<semaphore_mem>>)
        %dma_wait3A_74 = arith.constant 0 : i32
        %dma_wait3A_75 = tpu.memref_slice %arg4[%add3A_54, %dma_wait3A_74] : memref<73728x128xf32, #tpu.memory_space<hbm>> -> memref<128x128xf32, #tpu.memory_space<hbm>>
        %dma_wait3A_76 = arith.constant 0 : i32
        %dma_wait3A_77 = tpu.memref_slice %arg4[%add3A_54, %dma_wait3A_76] : memref<73728x128xf32, #tpu.memory_space<hbm>> -> memref<128x128xf32, #tpu.memory_space<hbm>>
        tpu.wait_dma2 semaphore(%run_scoped3A : memref<!tpu.dma_semaphore, #tpu.memory_space<semaphore_mem>>) src(%arg13 : memref<128x128xf32, #tpu.memory_space<vmem>>) dst(%dma_wait3A_77 : memref<128x128xf32, #tpu.memory_space<hbm>>)
        tpu.yield
      }) : () -> ()
      %dma_wait3A_55 = arith.constant 0 : i32
      %dma_wait3A_56 = arith.constant 0 : i32
      %dma_wait3A_57 = tpu.memref_slice %arg2[%dma_wait3A_55, %dma_wait3A_56] : memref<24576x128xf32, #tpu.memory_space<hbm>> -> memref<24576x128xf32, #tpu.memory_space<hbm>>
      tpu.wait_indirect_dma semaphore(%arg17 : memref<!tpu.dma_semaphore, #tpu.memory_space<semaphore_mem>>) src(%dma_wait3A_57 : memref<24576x128xf32, #tpu.memory_space<hbm>>) dst(%arg14 : memref<128x128xf32, #tpu.memory_space<vmem>>)
      %add3A_58 = arith.constant 384 : i32
      %add3A_59 = arith.addi %add3A_11, %add3A_58 : i32
      "tpu.region"() ({
        %run_scoped3A = tpu.sem_alloc : memref<!tpu.dma_semaphore, #tpu.memory_space<semaphore_mem>>
        %dma_start3A_70 = arith.constant 0 : i32
        %dma_start3A_71 = tpu.memref_slice %arg4[%add3A_59, %dma_start3A_70] : memref<73728x128xf32, #tpu.memory_space<hbm>> -> memref<128x128xf32, #tpu.memory_space<hbm>>
        %dma_start3A_72 = arith.constant 0 : i32
        %dma_start3A_73 = tpu.memref_slice %arg4[%add3A_59, %dma_start3A_72] : memref<73728x128xf32, #tpu.memory_space<hbm>> -> memref<128x128xf32, #tpu.memory_space<hbm>>
        tpu.enqueue_dma source(%arg14 : memref<128x128xf32, #tpu.memory_space<vmem>>) target(%dma_start3A_73 : memref<128x128xf32, #tpu.memory_space<hbm>>) target_semaphore(%run_scoped3A : memref<!tpu.dma_semaphore, #tpu.memory_space<semaphore_mem>>)
        %dma_wait3A_74 = arith.constant 0 : i32
        %dma_wait3A_75 = tpu.memref_slice %arg4[%add3A_59, %dma_wait3A_74] : memref<73728x128xf32, #tpu.memory_space<hbm>> -> memref<128x128xf32, #tpu.memory_space<hbm>>
        %dma_wait3A_76 = arith.constant 0 : i32
        %dma_wait3A_77 = tpu.memref_slice %arg4[%add3A_59, %dma_wait3A_76] : memref<73728x128xf32, #tpu.memory_space<hbm>> -> memref<128x128xf32, #tpu.memory_space<hbm>>
        tpu.wait_dma2 semaphore(%run_scoped3A : memref<!tpu.dma_semaphore, #tpu.memory_space<semaphore_mem>>) src(%arg14 : memref<128x128xf32, #tpu.memory_space<vmem>>) dst(%dma_wait3A_77 : memref<128x128xf32, #tpu.memory_space<hbm>>)
        tpu.yield
      }) : () -> ()
      %dma_wait3A_60 = arith.constant 0 : i32
      %dma_wait3A_61 = arith.constant 0 : i32
      %dma_wait3A_62 = tpu.memref_slice %arg2[%dma_wait3A_60, %dma_wait3A_61] : memref<24576x128xf32, #tpu.memory_space<hbm>> -> memref<24576x128xf32, #tpu.memory_space<hbm>>
      tpu.wait_indirect_dma semaphore(%arg17 : memref<!tpu.dma_semaphore, #tpu.memory_space<semaphore_mem>>) src(%dma_wait3A_62 : memref<24576x128xf32, #tpu.memory_space<hbm>>) dst(%arg15 : memref<128x128xf32, #tpu.memory_space<vmem>>)
      %add3A_63 = arith.constant 512 : i32
      %add3A_64 = arith.addi %add3A_11, %add3A_63 : i32
      "tpu.region"() ({
        %run_scoped3A = tpu.sem_alloc : memref<!tpu.dma_semaphore, #tpu.memory_space<semaphore_mem>>
        %dma_start3A_70 = arith.constant 0 : i32
        %dma_start3A_71 = tpu.memref_slice %arg4[%add3A_64, %dma_start3A_70] : memref<73728x128xf32, #tpu.memory_space<hbm>> -> memref<128x128xf32, #tpu.memory_space<hbm>>
        %dma_start3A_72 = arith.constant 0 : i32
        %dma_start3A_73 = tpu.memref_slice %arg4[%add3A_64, %dma_start3A_72] : memref<73728x128xf32, #tpu.memory_space<hbm>> -> memref<128x128xf32, #tpu.memory_space<hbm>>
        tpu.enqueue_dma source(%arg15 : memref<128x128xf32, #tpu.memory_space<vmem>>) target(%dma_start3A_73 : memref<128x128xf32, #tpu.memory_space<hbm>>) target_semaphore(%run_scoped3A : memref<!tpu.dma_semaphore, #tpu.memory_space<semaphore_mem>>)
        %dma_wait3A_74 = arith.constant 0 : i32
        %dma_wait3A_75 = tpu.memref_slice %arg4[%add3A_64, %dma_wait3A_74] : memref<73728x128xf32, #tpu.memory_space<hbm>> -> memref<128x128xf32, #tpu.memory_space<hbm>>
        %dma_wait3A_76 = arith.constant 0 : i32
        %dma_wait3A_77 = tpu.memref_slice %arg4[%add3A_64, %dma_wait3A_76] : memref<73728x128xf32, #tpu.memory_space<hbm>> -> memref<128x128xf32, #tpu.memory_space<hbm>>
        tpu.wait_dma2 semaphore(%run_scoped3A : memref<!tpu.dma_semaphore, #tpu.memory_space<semaphore_mem>>) src(%arg15 : memref<128x128xf32, #tpu.memory_space<vmem>>) dst(%dma_wait3A_77 : memref<128x128xf32, #tpu.memory_space<hbm>>)
        tpu.yield
      }) : () -> ()
      %dma_wait3A_65 = arith.constant 0 : i32
      %dma_wait3A_66 = arith.constant 0 : i32
      %dma_wait3A_67 = tpu.memref_slice %arg2[%dma_wait3A_65, %dma_wait3A_66] : memref<24576x128xf32, #tpu.memory_space<hbm>> -> memref<24576x128xf32, #tpu.memory_space<hbm>>
      tpu.wait_indirect_dma semaphore(%arg17 : memref<!tpu.dma_semaphore, #tpu.memory_space<semaphore_mem>>) src(%dma_wait3A_67 : memref<24576x128xf32, #tpu.memory_space<hbm>>) dst(%arg16 : memref<128x128xf32, #tpu.memory_space<vmem>>)
      %add3A_68 = arith.constant 640 : i32
      %add3A_69 = arith.addi %add3A_11, %add3A_68 : i32
      "tpu.region"() ({
        %run_scoped3A = tpu.sem_alloc : memref<!tpu.dma_semaphore, #tpu.memory_space<semaphore_mem>>
        %dma_start3A_70 = arith.constant 0 : i32
        %dma_start3A_71 = tpu.memref_slice %arg4[%add3A_69, %dma_start3A_70] : memref<73728x128xf32, #tpu.memory_space<hbm>> -> memref<128x128xf32, #tpu.memory_space<hbm>>
        %dma_start3A_72 = arith.constant 0 : i32
        %dma_start3A_73 = tpu.memref_slice %arg4[%add3A_69, %dma_start3A_72] : memref<73728x128xf32, #tpu.memory_space<hbm>> -> memref<128x128xf32, #tpu.memory_space<hbm>>
        tpu.enqueue_dma source(%arg16 : memref<128x128xf32, #tpu.memory_space<vmem>>) target(%dma_start3A_73 : memref<128x128xf32, #tpu.memory_space<hbm>>) target_semaphore(%run_scoped3A : memref<!tpu.dma_semaphore, #tpu.memory_space<semaphore_mem>>)
        %dma_wait3A_74 = arith.constant 0 : i32
        %dma_wait3A_75 = tpu.memref_slice %arg4[%add3A_69, %dma_wait3A_74] : memref<73728x128xf32, #tpu.memory_space<hbm>> -> memref<128x128xf32, #tpu.memory_space<hbm>>
        %dma_wait3A_76 = arith.constant 0 : i32
        %dma_wait3A_77 = tpu.memref_slice %arg4[%add3A_69, %dma_wait3A_76] : memref<73728x128xf32, #tpu.memory_space<hbm>> -> memref<128x128xf32, #tpu.memory_space<hbm>>
        tpu.wait_dma2 semaphore(%run_scoped3A : memref<!tpu.dma_semaphore, #tpu.memory_space<semaphore_mem>>) src(%arg16 : memref<128x128xf32, #tpu.memory_space<vmem>>) dst(%dma_wait3A_77 : memref<128x128xf32, #tpu.memory_space<hbm>>)
        tpu.yield
      }) : () -> ()
    }
    %scan3A_7 = arith.constant 3 : i32
    return
  }
}

module attributes {stable_mosaic.version = 14 : i64} {
  func.func @_k12_body(%arg0: i32, %arg1: i32, %arg2: memref<1x256x128xf32, #tpu.memory_space<vmem>>, %arg3: memref<1x128x2048xf32, #tpu.memory_space<vmem>>, %arg4: memref<4x128x128xf32, #tpu.memory_space<vmem>>, %arg5: memref<1x256x16xi32, #tpu.memory_space<vmem>>, %arg6: memref<1x3x256x128xf32, #tpu.memory_space<vmem>>, %arg7: memref<1x256x128xf32, #tpu.memory_space<vmem>>) attributes {dimension_semantics = [#tpu.dimension_semantics<arbitrary>, #tpu.dimension_semantics<arbitrary>], iteration_bounds = array<i64: 4, 8>, scalar_prefetch = 0 : i64, scratch_operands = 0 : i64, tpu.core_type = #tpu.core_type<tc>, window_params = [{transform_indices = @transform_0, window_bounds = array<i64: 1, 256, 128>}, {transform_indices = @transform_1, window_bounds = array<i64: 1, 128, 2048>}, {pipeline_mode = #tpu.pipeline_mode<synchronous>, transform_indices = @transform_2, window_bounds = array<i64: 4, 128, 128>}, {transform_indices = @transform_3, window_bounds = array<i64: 1, 256, 16>}, {transform_indices = @transform_4, window_bounds = array<i64: 1, 3, 256, 128>}, {transform_indices = @transform_5, window_bounds = array<i64: 1, 256, 128>}]} {
    %get3A = arith.constant 0 : index
    %get3A_0 = arith.constant 0 : index
    %get3A_1 = arith.constant 0 : index
    %get3A_2 = vector.load %arg2[%get3A, %get3A_0, %get3A_1] : memref<1x256x128xf32, #tpu.memory_space<vmem>>, vector<1x256x128xf32>
    %get3A_3 = vector.shape_cast %get3A_2 : vector<1x256x128xf32> to vector<256x128xf32>
    %get3A_4 = arith.constant 0 : index
    %get3A_5 = arith.constant 0 : index
    %get3A_6 = arith.constant 0 : index
    %get3A_7 = vector.load %arg3[%get3A_4, %get3A_5, %get3A_6] : memref<1x128x2048xf32, #tpu.memory_space<vmem>>, vector<1x128x2048xf32>
    %get3A_8 = vector.shape_cast %get3A_7 : vector<1x128x2048xf32> to vector<128x2048xf32>
    %dot_general3A = arith.constant dense<0.000000e+00> : vector<256x2048xf32>
    %dot_general3A_9 = tpu.matmul %get3A_3, %get3A_8, %dot_general3A {dimension_numbers = #tpu.dot_dimension_numbers<[1], [0], [0], [1], [0, 0, 1, 1], [], []>, transpose_lhs_hint = false} : vector<256x128xf32>, vector<128x2048xf32>, vector<256x2048xf32> -> vector<256x2048xf32>
    %mul3A = arith.mulf %get3A_3, %get3A_3 : vector<256x128xf32>
    %reduce_sum3A = arith.constant dense<0.000000e+00> : vector<256xf32>
    %reduce_sum3A_10 = vector.multi_reduction <add>, %mul3A, %reduce_sum3A [1] : vector<256x128xf32> to vector<256xf32>
    %broadcast_in_dim3A = vector.shape_cast %reduce_sum3A_10 : vector<256xf32> to vector<256x1xf32>
    %mul3A_11 = arith.mulf %get3A_8, %get3A_8 : vector<128x2048xf32>
    %reduce_sum3A_12 = arith.constant dense<0.000000e+00> : vector<2048xf32>
    %reduce_sum3A_13 = vector.multi_reduction <add>, %mul3A_11, %reduce_sum3A_12 [0] : vector<128x2048xf32> to vector<2048xf32>
    %broadcast_in_dim3A_14 = vector.shape_cast %reduce_sum3A_13 : vector<2048xf32> to vector<1x2048xf32>
    %mul3A_15 = arith.constant 2.000000e+00 : f32
    %mul3A_16 = vector.broadcast %mul3A_15 : f32 to vector<256x2048xf32>
    %mul3A_17 = arith.mulf %mul3A_16, %dot_general3A_9 : vector<256x2048xf32>
    %sub3A = vector.broadcast %broadcast_in_dim3A : vector<256x1xf32> to vector<256x2048xf32>
    %sub3A_18 = arith.subf %mul3A_17, %sub3A : vector<256x2048xf32>
    %sub3A_19 = vector.broadcast %broadcast_in_dim3A_14 : vector<1x2048xf32> to vector<256x2048xf32>
    %sub3A_20 = arith.subf %sub3A_18, %sub3A_19 : vector<256x2048xf32>
    %iota3A = tpu.iota {dimensions = array<i32: 1>} : vector<256x2048xi32>
    %reduce_max3A = arith.constant dense<0xFF800000> : vector<256xf32>
    %reduce_max3A_21 = vector.multi_reduction <maximumf>, %sub3A_20, %reduce_max3A [1] : vector<256x2048xf32> to vector<256xf32>
    %broadcast_in_dim3A_22 = vector.shape_cast %reduce_max3A_21 : vector<256xf32> to vector<256x1xf32>
    %eq3A = vector.broadcast %broadcast_in_dim3A_22 : vector<256x1xf32> to vector<256x2048xf32>
    %eq3A_23 = arith.cmpf oeq, %sub3A_20, %eq3A : vector<256x2048xf32>
    %jit3A = arith.constant 2048 : i32
    %broadcast_in_dim3A_24 = vector.broadcast %jit3A : i32 to vector<256x2048xi32>
    %select_n3A = arith.select %eq3A_23, %iota3A, %broadcast_in_dim3A_24 : vector<256x2048xi1>, vector<256x2048xi32>
    %reduce_min3A = arith.constant dense<2147483647> : vector<256xi32>
    %reduce_min3A_25 = vector.multi_reduction <minsi>, %select_n3A, %reduce_min3A [1] : vector<256x2048xi32> to vector<256xi32>
    %broadcast_in_dim3A_26 = vector.shape_cast %reduce_min3A_25 : vector<256xi32> to vector<256x1xi32>
    %jit3A_27 = arith.constant 0xFF800000 : f32
    %broadcast_in_dim3A_28 = vector.broadcast %jit3A_27 : f32 to vector<256x2048xf32>
    %select_n3A_29 = arith.select %eq3A_23, %broadcast_in_dim3A_28, %sub3A_20 : vector<256x2048xi1>, vector<256x2048xf32>
    %reduce_max3A_30 = arith.constant dense<0xFF800000> : vector<256xf32>
    %reduce_max3A_31 = vector.multi_reduction <maximumf>, %select_n3A_29, %reduce_max3A_30 [1] : vector<256x2048xf32> to vector<256xf32>
    %broadcast_in_dim3A_32 = vector.shape_cast %reduce_max3A_31 : vector<256xf32> to vector<256x1xf32>
    %eq3A_33 = vector.broadcast %broadcast_in_dim3A_32 : vector<256x1xf32> to vector<256x2048xf32>
    %eq3A_34 = arith.cmpf oeq, %select_n3A_29, %eq3A_33 : vector<256x2048xf32>
    %jit3A_35 = arith.constant 2048 : i32
    %broadcast_in_dim3A_36 = vector.broadcast %jit3A_35 : i32 to vector<256x2048xi32>
    %select_n3A_37 = arith.select %eq3A_34, %iota3A, %broadcast_in_dim3A_36 : vector<256x2048xi1>, vector<256x2048xi32>
    %reduce_min3A_38 = arith.constant dense<2147483647> : vector<256xi32>
    %reduce_min3A_39 = vector.multi_reduction <minsi>, %select_n3A_37, %reduce_min3A_38 [1] : vector<256x2048xi32> to vector<256xi32>
    %broadcast_in_dim3A_40 = vector.shape_cast %reduce_min3A_39 : vector<256xi32> to vector<256x1xi32>
    %jit3A_41 = arith.constant 0xFF800000 : f32
    %broadcast_in_dim3A_42 = vector.broadcast %jit3A_41 : f32 to vector<256x2048xf32>
    %select_n3A_43 = arith.select %eq3A_34, %broadcast_in_dim3A_42, %select_n3A_29 : vector<256x2048xi1>, vector<256x2048xf32>
    %reduce_max3A_44 = arith.constant dense<0xFF800000> : vector<256xf32>
    %reduce_max3A_45 = vector.multi_reduction <maximumf>, %select_n3A_43, %reduce_max3A_44 [1] : vector<256x2048xf32> to vector<256xf32>
    %broadcast_in_dim3A_46 = vector.shape_cast %reduce_max3A_45 : vector<256xf32> to vector<256x1xf32>
    %eq3A_47 = vector.broadcast %broadcast_in_dim3A_46 : vector<256x1xf32> to vector<256x2048xf32>
    %eq3A_48 = arith.cmpf oeq, %select_n3A_43, %eq3A_47 : vector<256x2048xf32>
    %jit3A_49 = arith.constant 2048 : i32
    %broadcast_in_dim3A_50 = vector.broadcast %jit3A_49 : i32 to vector<256x2048xi32>
    %select_n3A_51 = arith.select %eq3A_48, %iota3A, %broadcast_in_dim3A_50 : vector<256x2048xi1>, vector<256x2048xi32>
    %reduce_min3A_52 = arith.constant dense<2147483647> : vector<256xi32>
    %reduce_min3A_53 = vector.multi_reduction <minsi>, %select_n3A_51, %reduce_min3A_52 [1] : vector<256x2048xi32> to vector<256xi32>
    %broadcast_in_dim3A_54 = vector.shape_cast %reduce_min3A_53 : vector<256xi32> to vector<256x1xi32>
    %jit3A_55 = arith.constant 0xFF800000 : f32
    %broadcast_in_dim3A_56 = vector.broadcast %jit3A_55 : f32 to vector<256x2048xf32>
    %select_n3A_57 = arith.select %eq3A_48, %broadcast_in_dim3A_56, %select_n3A_43 : vector<256x2048xi1>, vector<256x2048xf32>
    %reduce_max3A_58 = arith.constant dense<0xFF800000> : vector<256xf32>
    %reduce_max3A_59 = vector.multi_reduction <maximumf>, %select_n3A_57, %reduce_max3A_58 [1] : vector<256x2048xf32> to vector<256xf32>
    %broadcast_in_dim3A_60 = vector.shape_cast %reduce_max3A_59 : vector<256xf32> to vector<256x1xf32>
    %eq3A_61 = vector.broadcast %broadcast_in_dim3A_60 : vector<256x1xf32> to vector<256x2048xf32>
    %eq3A_62 = arith.cmpf oeq, %select_n3A_57, %eq3A_61 : vector<256x2048xf32>
    %jit3A_63 = arith.constant 2048 : i32
    %broadcast_in_dim3A_64 = vector.broadcast %jit3A_63 : i32 to vector<256x2048xi32>
    %select_n3A_65 = arith.select %eq3A_62, %iota3A, %broadcast_in_dim3A_64 : vector<256x2048xi1>, vector<256x2048xi32>
    %reduce_min3A_66 = arith.constant dense<2147483647> : vector<256xi32>
    %reduce_min3A_67 = vector.multi_reduction <minsi>, %select_n3A_65, %reduce_min3A_66 [1] : vector<256x2048xi32> to vector<256xi32>
    %broadcast_in_dim3A_68 = vector.shape_cast %reduce_min3A_67 : vector<256xi32> to vector<256x1xi32>
    %jit3A_69 = arith.constant 0xFF800000 : f32
    %broadcast_in_dim3A_70 = vector.broadcast %jit3A_69 : f32 to vector<256x2048xf32>
    %select_n3A_71 = arith.select %eq3A_62, %broadcast_in_dim3A_70, %select_n3A_57 : vector<256x2048xi1>, vector<256x2048xf32>
    %reduce_max3A_72 = arith.constant dense<0xFF800000> : vector<256xf32>
    %reduce_max3A_73 = vector.multi_reduction <maximumf>, %select_n3A_71, %reduce_max3A_72 [1] : vector<256x2048xf32> to vector<256xf32>
    %broadcast_in_dim3A_74 = vector.shape_cast %reduce_max3A_73 : vector<256xf32> to vector<256x1xf32>
    %eq3A_75 = vector.broadcast %broadcast_in_dim3A_74 : vector<256x1xf32> to vector<256x2048xf32>
    %eq3A_76 = arith.cmpf oeq, %select_n3A_71, %eq3A_75 : vector<256x2048xf32>
    %jit3A_77 = arith.constant 2048 : i32
    %broadcast_in_dim3A_78 = vector.broadcast %jit3A_77 : i32 to vector<256x2048xi32>
    %select_n3A_79 = arith.select %eq3A_76, %iota3A, %broadcast_in_dim3A_78 : vector<256x2048xi1>, vector<256x2048xi32>
    %reduce_min3A_80 = arith.constant dense<2147483647> : vector<256xi32>
    %reduce_min3A_81 = vector.multi_reduction <minsi>, %select_n3A_79, %reduce_min3A_80 [1] : vector<256x2048xi32> to vector<256xi32>
    %broadcast_in_dim3A_82 = vector.shape_cast %reduce_min3A_81 : vector<256xi32> to vector<256x1xi32>
    %jit3A_83 = arith.constant 0xFF800000 : f32
    %broadcast_in_dim3A_84 = vector.broadcast %jit3A_83 : f32 to vector<256x2048xf32>
    %select_n3A_85 = arith.select %eq3A_76, %broadcast_in_dim3A_84, %select_n3A_71 : vector<256x2048xi1>, vector<256x2048xf32>
    %reduce_max3A_86 = arith.constant dense<0xFF800000> : vector<256xf32>
    %reduce_max3A_87 = vector.multi_reduction <maximumf>, %select_n3A_85, %reduce_max3A_86 [1] : vector<256x2048xf32> to vector<256xf32>
    %broadcast_in_dim3A_88 = vector.shape_cast %reduce_max3A_87 : vector<256xf32> to vector<256x1xf32>
    %eq3A_89 = vector.broadcast %broadcast_in_dim3A_88 : vector<256x1xf32> to vector<256x2048xf32>
    %eq3A_90 = arith.cmpf oeq, %select_n3A_85, %eq3A_89 : vector<256x2048xf32>
    %jit3A_91 = arith.constant 2048 : i32
    %broadcast_in_dim3A_92 = vector.broadcast %jit3A_91 : i32 to vector<256x2048xi32>
    %select_n3A_93 = arith.select %eq3A_90, %iota3A, %broadcast_in_dim3A_92 : vector<256x2048xi1>, vector<256x2048xi32>
    %reduce_min3A_94 = arith.constant dense<2147483647> : vector<256xi32>
    %reduce_min3A_95 = vector.multi_reduction <minsi>, %select_n3A_93, %reduce_min3A_94 [1] : vector<256x2048xi32> to vector<256xi32>
    %broadcast_in_dim3A_96 = vector.shape_cast %reduce_min3A_95 : vector<256xi32> to vector<256x1xi32>
    %jit3A_97 = arith.constant 0xFF800000 : f32
    %broadcast_in_dim3A_98 = vector.broadcast %jit3A_97 : f32 to vector<256x2048xf32>
    %select_n3A_99 = arith.select %eq3A_90, %broadcast_in_dim3A_98, %select_n3A_85 : vector<256x2048xi1>, vector<256x2048xf32>
    %reduce_max3A_100 = arith.constant dense<0xFF800000> : vector<256xf32>
    %reduce_max3A_101 = vector.multi_reduction <maximumf>, %select_n3A_99, %reduce_max3A_100 [1] : vector<256x2048xf32> to vector<256xf32>
    %broadcast_in_dim3A_102 = vector.shape_cast %reduce_max3A_101 : vector<256xf32> to vector<256x1xf32>
    %eq3A_103 = vector.broadcast %broadcast_in_dim3A_102 : vector<256x1xf32> to vector<256x2048xf32>
    %eq3A_104 = arith.cmpf oeq, %select_n3A_99, %eq3A_103 : vector<256x2048xf32>
    %jit3A_105 = arith.constant 2048 : i32
    %broadcast_in_dim3A_106 = vector.broadcast %jit3A_105 : i32 to vector<256x2048xi32>
    %select_n3A_107 = arith.select %eq3A_104, %iota3A, %broadcast_in_dim3A_106 : vector<256x2048xi1>, vector<256x2048xi32>
    %reduce_min3A_108 = arith.constant dense<2147483647> : vector<256xi32>
    %reduce_min3A_109 = vector.multi_reduction <minsi>, %select_n3A_107, %reduce_min3A_108 [1] : vector<256x2048xi32> to vector<256xi32>
    %broadcast_in_dim3A_110 = vector.shape_cast %reduce_min3A_109 : vector<256xi32> to vector<256x1xi32>
    %jit3A_111 = arith.constant 0xFF800000 : f32
    %broadcast_in_dim3A_112 = vector.broadcast %jit3A_111 : f32 to vector<256x2048xf32>
    %select_n3A_113 = arith.select %eq3A_104, %broadcast_in_dim3A_112, %select_n3A_99 : vector<256x2048xi1>, vector<256x2048xf32>
    %reduce_max3A_114 = arith.constant dense<0xFF800000> : vector<256xf32>
    %reduce_max3A_115 = vector.multi_reduction <maximumf>, %select_n3A_113, %reduce_max3A_114 [1] : vector<256x2048xf32> to vector<256xf32>
    %broadcast_in_dim3A_116 = vector.shape_cast %reduce_max3A_115 : vector<256xf32> to vector<256x1xf32>
    %eq3A_117 = vector.broadcast %broadcast_in_dim3A_116 : vector<256x1xf32> to vector<256x2048xf32>
    %eq3A_118 = arith.cmpf oeq, %select_n3A_113, %eq3A_117 : vector<256x2048xf32>
    %jit3A_119 = arith.constant 2048 : i32
    %broadcast_in_dim3A_120 = vector.broadcast %jit3A_119 : i32 to vector<256x2048xi32>
    %select_n3A_121 = arith.select %eq3A_118, %iota3A, %broadcast_in_dim3A_120 : vector<256x2048xi1>, vector<256x2048xi32>
    %reduce_min3A_122 = arith.constant dense<2147483647> : vector<256xi32>
    %reduce_min3A_123 = vector.multi_reduction <minsi>, %select_n3A_121, %reduce_min3A_122 [1] : vector<256x2048xi32> to vector<256xi32>
    %broadcast_in_dim3A_124 = vector.shape_cast %reduce_min3A_123 : vector<256xi32> to vector<256x1xi32>
    %jit3A_125 = arith.constant 0xFF800000 : f32
    %broadcast_in_dim3A_126 = vector.broadcast %jit3A_125 : f32 to vector<256x2048xf32>
    %select_n3A_127 = arith.select %eq3A_118, %broadcast_in_dim3A_126, %select_n3A_113 : vector<256x2048xi1>, vector<256x2048xf32>
    %reduce_max3A_128 = arith.constant dense<0xFF800000> : vector<256xf32>
    %reduce_max3A_129 = vector.multi_reduction <maximumf>, %select_n3A_127, %reduce_max3A_128 [1] : vector<256x2048xf32> to vector<256xf32>
    %broadcast_in_dim3A_130 = vector.shape_cast %reduce_max3A_129 : vector<256xf32> to vector<256x1xf32>
    %eq3A_131 = vector.broadcast %broadcast_in_dim3A_130 : vector<256x1xf32> to vector<256x2048xf32>
    %eq3A_132 = arith.cmpf oeq, %select_n3A_127, %eq3A_131 : vector<256x2048xf32>
    %jit3A_133 = arith.constant 2048 : i32
    %broadcast_in_dim3A_134 = vector.broadcast %jit3A_133 : i32 to vector<256x2048xi32>
    %select_n3A_135 = arith.select %eq3A_132, %iota3A, %broadcast_in_dim3A_134 : vector<256x2048xi1>, vector<256x2048xi32>
    %reduce_min3A_136 = arith.constant dense<2147483647> : vector<256xi32>
    %reduce_min3A_137 = vector.multi_reduction <minsi>, %select_n3A_135, %reduce_min3A_136 [1] : vector<256x2048xi32> to vector<256xi32>
    %broadcast_in_dim3A_138 = vector.shape_cast %reduce_min3A_137 : vector<256xi32> to vector<256x1xi32>
    %broadcast_in_dim3A_139 = arith.constant 0 : i32
    %broadcast_in_dim3A_140 = vector.broadcast %broadcast_in_dim3A_139 : i32 to vector<256x1xi32>
    %concatenate3A = tpu.concatenate %broadcast_in_dim3A_26, %broadcast_in_dim3A_40, %broadcast_in_dim3A_54, %broadcast_in_dim3A_68, %broadcast_in_dim3A_82, %broadcast_in_dim3A_96, %broadcast_in_dim3A_110, %broadcast_in_dim3A_124, %broadcast_in_dim3A_138, %broadcast_in_dim3A_140, %broadcast_in_dim3A_140, %broadcast_in_dim3A_140, %broadcast_in_dim3A_140, %broadcast_in_dim3A_140, %broadcast_in_dim3A_140, %broadcast_in_dim3A_140 in 1 : vector<256x1xi32>, vector<256x1xi32>, vector<256x1xi32>, vector<256x1xi32>, vector<256x1xi32>, vector<256x1xi32>, vector<256x1xi32>, vector<256x1xi32>, vector<256x1xi32>, vector<256x1xi32>, vector<256x1xi32>, vector<256x1xi32>, vector<256x1xi32>, vector<256x1xi32>, vector<256x1xi32>, vector<256x1xi32> -> vector<256x16xi32>
    %iota3A_141 = tpu.iota {dimensions = array<i32: 1>} : vector<1x16xi32>
    %mul3A_142 = arith.constant 3 : i32
    %mul3A_143 = arith.muli %arg0, %mul3A_142 : i32
    %jit3A_144 = arith.constant 3 : i32
    %eq3A_145 = arith.constant 0 : i32
    %eq3A_146 = arith.cmpi eq, %jit3A_144, %eq3A_145 : i32
    %jit3A_147 = arith.constant 1 : i32
    %select_n3A_148 = arith.select %eq3A_146, %jit3A_147, %jit3A_144 : i32
    %rem3A = vector.broadcast %select_n3A_148 : i32 to vector<1x16xi32>
    %rem3A_149 = arith.remsi %iota3A_141, %rem3A : vector<1x16xi32>
    %ne3A = arith.constant 0 : i32
    %ne3A_150 = vector.broadcast %ne3A : i32 to vector<1x16xi32>
    %ne3A_151 = arith.cmpi ne, %rem3A_149, %ne3A_150 : vector<1x16xi32>
    %lt3A = arith.constant 0 : i32
    %lt3A_152 = vector.broadcast %lt3A : i32 to vector<1x16xi32>
    %lt3A_153 = arith.cmpi slt, %rem3A_149, %lt3A_152 : vector<1x16xi32>
    %lt3A_154 = arith.constant 0 : i32
    %lt3A_155 = arith.cmpi slt, %select_n3A_148, %lt3A_154 : i32
    %ne3A_156 = vector.broadcast %lt3A_155 : i1 to vector<1x16xi1>
    %ne3A_157 = vector.broadcast %ne3A_156 : vector<1x16xi1> to vector<1x16xi1>
    %ne3A_158 = arith.xori %lt3A_153, %ne3A_157 : vector<1x16xi1>
    %and3A = arith.andi %ne3A_158, %ne3A_151 : vector<1x16xi1>
    %add3A = vector.broadcast %select_n3A_148 : i32 to vector<1x16xi32>
    %add3A_159 = arith.addi %rem3A_149, %add3A : vector<1x16xi32>
    %select_n3A_160 = arith.select %and3A, %add3A_159, %rem3A_149 : vector<1x16xi1>, vector<1x16xi32>
    %add3A_161 = vector.broadcast %mul3A_143 : i32 to vector<1x16xi32>
    %add3A_162 = arith.addi %add3A_161, %select_n3A_160 : vector<1x16xi32>
    %mul3A_163 = arith.constant 2048 : i32
    %mul3A_164 = vector.broadcast %mul3A_163 : i32 to vector<1x16xi32>
    %mul3A_165 = arith.muli %add3A_162, %mul3A_164 : vector<1x16xi32>
    %add3A_166 = vector.broadcast %mul3A_165 : vector<1x16xi32> to vector<256x16xi32>
    %add3A_167 = arith.addi %concatenate3A, %add3A_166 : vector<256x16xi32>
    %swap3A = arith.constant 0 : index
    %swap3A_168 = arith.constant 0 : index
    %swap3A_169 = arith.constant 0 : index
    %swap3A_170 = vector.load %arg5[%swap3A, %swap3A_168, %swap3A_169] : memref<1x256x16xi32, #tpu.memory_space<vmem>>, vector<1x256x16xi32>
    %swap3A_171 = vector.shape_cast %swap3A_170 : vector<1x256x16xi32> to vector<256x16xi32>
    %swap3A_172 = vector.shape_cast %add3A_167 : vector<256x16xi32> to vector<1x256x16xi32>
    tpu.vector_store %arg5[%swap3A, %swap3A_168, %swap3A_169], %swap3A_172 {strides = array<i32>} : memref<1x256x16xi32, #tpu.memory_space<vmem>>, vector<1x256x16xi32>,
    %get3A_173 = arith.constant 1 : index
    %get3A_174 = arith.constant 0 : index
    %get3A_175 = arith.constant 0 : index
    %get3A_176 = vector.load %arg4[%get3A_173, %get3A_174, %get3A_175] : memref<4x128x128xf32, #tpu.memory_space<vmem>>, vector<1x128x128xf32>
    %get3A_177 = vector.shape_cast %get3A_176 : vector<1x128x128xf32> to vector<128x128xf32>
    %dot_general3A_178 = arith.constant dense<0.000000e+00> : vector<256x128xf32>
    %dot_general3A_179 = tpu.matmul %get3A_3, %get3A_177, %dot_general3A_178 {dimension_numbers = #tpu.dot_dimension_numbers<[1], [0], [0], [1], [0, 0, 1, 1], [], []>, transpose_lhs_hint = false} : vector<256x128xf32>, vector<128x128xf32>, vector<256x128xf32> -> vector<256x128xf32>
    %swap3A_180 = arith.constant 0 : index
    %swap3A_181 = arith.constant 0 : index
    %swap3A_182 = arith.constant 0 : index
    %swap3A_183 = arith.constant 0 : index
    %swap3A_184 = vector.load %arg6[%swap3A_180, %swap3A_181, %swap3A_182, %swap3A_183] : memref<1x3x256x128xf32, #tpu.memory_space<vmem>>, vector<1x1x256x128xf32>
    %swap3A_185 = vector.shape_cast %swap3A_184 : vector<1x1x256x128xf32> to vector<256x128xf32>
    %swap3A_186 = vector.shape_cast %dot_general3A_179 : vector<256x128xf32> to vector<1x1x256x128xf32>
    tpu.vector_store %arg6[%swap3A_180, %swap3A_181, %swap3A_182, %swap3A_183], %swap3A_186 {strides = array<i32>} : memref<1x3x256x128xf32, #tpu.memory_space<vmem>>, vector<1x1x256x128xf32>,
    %get3A_187 = arith.constant 2 : index
    %get3A_188 = arith.constant 0 : index
    %get3A_189 = arith.constant 0 : index
    %get3A_190 = vector.load %arg4[%get3A_187, %get3A_188, %get3A_189] : memref<4x128x128xf32, #tpu.memory_space<vmem>>, vector<1x128x128xf32>
    %get3A_191 = vector.shape_cast %get3A_190 : vector<1x128x128xf32> to vector<128x128xf32>
    %dot_general3A_192 = arith.constant dense<0.000000e+00> : vector<256x128xf32>
    %dot_general3A_193 = tpu.matmul %get3A_3, %get3A_191, %dot_general3A_192 {dimension_numbers = #tpu.dot_dimension_numbers<[1], [0], [0], [1], [0, 0, 1, 1], [], []>, transpose_lhs_hint = false} : vector<256x128xf32>, vector<128x128xf32>, vector<256x128xf32> -> vector<256x128xf32>
    %swap3A_194 = arith.constant 0 : index
    %swap3A_195 = arith.constant 1 : index
    %swap3A_196 = arith.constant 0 : index
    %swap3A_197 = arith.constant 0 : index
    %swap3A_198 = vector.load %arg6[%swap3A_194, %swap3A_195, %swap3A_196, %swap3A_197] : memref<1x3x256x128xf32, #tpu.memory_space<vmem>>, vector<1x1x256x128xf32>
    %swap3A_199 = vector.shape_cast %swap3A_198 : vector<1x1x256x128xf32> to vector<256x128xf32>
    %swap3A_200 = vector.shape_cast %dot_general3A_193 : vector<256x128xf32> to vector<1x1x256x128xf32>
    tpu.vector_store %arg6[%swap3A_194, %swap3A_195, %swap3A_196, %swap3A_197], %swap3A_200 {strides = array<i32>} : memref<1x3x256x128xf32, #tpu.memory_space<vmem>>, vector<1x1x256x128xf32>,
    %get3A_201 = arith.constant 3 : index
    %get3A_202 = arith.constant 0 : index
    %get3A_203 = arith.constant 0 : index
    %get3A_204 = vector.load %arg4[%get3A_201, %get3A_202, %get3A_203] : memref<4x128x128xf32, #tpu.memory_space<vmem>>, vector<1x128x128xf32>
    %get3A_205 = vector.shape_cast %get3A_204 : vector<1x128x128xf32> to vector<128x128xf32>
    %dot_general3A_206 = arith.constant dense<0.000000e+00> : vector<256x128xf32>
    %dot_general3A_207 = tpu.matmul %get3A_3, %get3A_205, %dot_general3A_206 {dimension_numbers = #tpu.dot_dimension_numbers<[1], [0], [0], [1], [0, 0, 1, 1], [], []>, transpose_lhs_hint = false} : vector<256x128xf32>, vector<128x128xf32>, vector<256x128xf32> -> vector<256x128xf32>
    %swap3A_208 = arith.constant 0 : index
    %swap3A_209 = arith.constant 2 : index
    %swap3A_210 = arith.constant 0 : index
    %swap3A_211 = arith.constant 0 : index
    %swap3A_212 = vector.load %arg6[%swap3A_208, %swap3A_209, %swap3A_210, %swap3A_211] : memref<1x3x256x128xf32, #tpu.memory_space<vmem>>, vector<1x1x256x128xf32>
    %swap3A_213 = vector.shape_cast %swap3A_212 : vector<1x1x256x128xf32> to vector<256x128xf32>
    %swap3A_214 = vector.shape_cast %dot_general3A_207 : vector<256x128xf32> to vector<1x1x256x128xf32>
    tpu.vector_store %arg6[%swap3A_208, %swap3A_209, %swap3A_210, %swap3A_211], %swap3A_214 {strides = array<i32>} : memref<1x3x256x128xf32, #tpu.memory_space<vmem>>, vector<1x1x256x128xf32>,
    %get3A_215 = arith.constant 0 : index
    %get3A_216 = arith.constant 0 : index
    %get3A_217 = arith.constant 0 : index
    %get3A_218 = vector.load %arg4[%get3A_215, %get3A_216, %get3A_217] : memref<4x128x128xf32, #tpu.memory_space<vmem>>, vector<1x128x128xf32>
    %get3A_219 = vector.shape_cast %get3A_218 : vector<1x128x128xf32> to vector<128x128xf32>
    %dot_general3A_220 = arith.constant dense<0.000000e+00> : vector<256x128xf32>
    %dot_general3A_221 = tpu.matmul %get3A_3, %get3A_219, %dot_general3A_220 {dimension_numbers = #tpu.dot_dimension_numbers<[1], [0], [0], [1], [0, 0, 1, 1], [], []>, transpose_lhs_hint = false} : vector<256x128xf32>, vector<128x128xf32>, vector<256x128xf32> -> vector<256x128xf32>
    %swap3A_222 = arith.constant 0 : index
    %swap3A_223 = arith.constant 0 : index
    %swap3A_224 = arith.constant 0 : index
    %swap3A_225 = vector.load %arg7[%swap3A_222, %swap3A_223, %swap3A_224] : memref<1x256x128xf32, #tpu.memory_space<vmem>>, vector<1x256x128xf32>
    %swap3A_226 = vector.shape_cast %swap3A_225 : vector<1x256x128xf32> to vector<256x128xf32>
    %swap3A_227 = vector.shape_cast %dot_general3A_221 : vector<256x128xf32> to vector<1x256x128xf32>
    tpu.vector_store %arg7[%swap3A_222, %swap3A_223, %swap3A_224], %swap3A_227 {strides = array<i32>} : memref<1x256x128xf32, #tpu.memory_space<vmem>>, vector<1x256x128xf32>,
    return
  }
  func.func @transform_0(%arg0: i32, %arg1: i32) -> (i32, i32, i32) {
    %c0_i32 = arith.constant 0 : i32
    %c0_i32_0 = arith.constant 0 : i32
    return %arg0, %arg1, %c0_i32 : i32, i32, i32
  }
  func.func @transform_1(%arg0: i32, %arg1: i32) -> (i32, i32, i32) {
    %c0_i32 = arith.constant 0 : i32
    %c0_i32_0 = arith.constant 0 : i32
    %c0_i32_1 = arith.constant 0 : i32
    return %arg0, %c0_i32, %c0_i32_0 : i32, i32, i32
  }
  func.func @transform_2(%arg0: i32, %arg1: i32) -> (i32, i32, i32) {
    %c0_i32 = arith.constant 0 : i32
    %c0_i32_0 = arith.constant 0 : i32
    %c0_i32_1 = arith.constant 0 : i32
    %c0_i32_2 = arith.constant 0 : i32
    return %c0_i32, %c0_i32_0, %c0_i32_1 : i32, i32, i32
  }
  func.func @transform_3(%arg0: i32, %arg1: i32) -> (i32, i32, i32) {
    %c0_i32 = arith.constant 0 : i32
    %c0_i32_0 = arith.constant 0 : i32
    return %arg0, %arg1, %c0_i32 : i32, i32, i32
  }
  func.func @transform_4(%arg0: i32, %arg1: i32) -> (i32, i32, i32, i32) {
    %c0_i32 = arith.constant 0 : i32
    %c0_i32_0 = arith.constant 0 : i32
    %c0_i32_1 = arith.constant 0 : i32
    return %arg0, %c0_i32, %arg1, %c0_i32_0 : i32, i32, i32, i32
  }
  func.func @transform_5(%arg0: i32, %arg1: i32) -> (i32, i32, i32) {
    %c0_i32 = arith.constant 0 : i32
    %c0_i32_0 = arith.constant 0 : i32
    return %arg0, %arg1, %c0_i32 : i32, i32, i32
  }
}

module attributes {stable_mosaic.version = 14 : i64} {
  func.func @_k4_body(%arg0: i32, %arg1: i32, %arg2: memref<3x1x3x256x128xf32, #tpu.memory_space<vmem>>, %arg3: memref<1x256x128xf32, #tpu.memory_space<vmem>>, %arg4: memref<128xf32, #tpu.memory_space<vmem>>, %arg5: memref<1x256x384xf32, #tpu.memory_space<vmem>>, %arg6: memref<2x384xf32, #tpu.memory_space<vmem>>) attributes {dimension_semantics = [#tpu.dimension_semantics<arbitrary>, #tpu.dimension_semantics<arbitrary>], iteration_bounds = array<i64: 4, 8>, scalar_prefetch = 0 : i64, scratch_operands = 0 : i64, tpu.core_type = #tpu.core_type<tc>, window_params = [{transform_indices = @transform_0, window_bounds = array<i64: 3, 1, 3, 256, 128>}, {transform_indices = @transform_1, window_bounds = array<i64: 1, 256, 128>}, {pipeline_mode = #tpu.pipeline_mode<synchronous>, transform_indices = @transform_2, window_bounds = array<i64: 128>}, {transform_indices = @transform_3, window_bounds = array<i64: 1, 256, 384>}, {pipeline_mode = #tpu.pipeline_mode<synchronous>, transform_indices = @transform_4, window_bounds = array<i64: 2, 384>}]} {
    %get3A = arith.constant 0 : index
    %get3A_0 = arith.constant 0 : index
    %get3A_1 = arith.constant 0 : index
    %get3A_2 = vector.load %arg3[%get3A, %get3A_0, %get3A_1] : memref<1x256x128xf32, #tpu.memory_space<vmem>>, vector<1x256x128xf32>
    %get3A_3 = vector.shape_cast %get3A_2 : vector<1x256x128xf32> to vector<256x128xf32>
    %get3A_4 = arith.constant 0 : index
    %get3A_5 = vector.load %arg4[%get3A_4] : memref<128xf32, #tpu.memory_space<vmem>>, vector<128xf32>
    %broadcast_in_dim3A = vector.shape_cast %get3A_5 : vector<128xf32> to vector<1x128xf32>
    %add3A = vector.broadcast %broadcast_in_dim3A : vector<1x128xf32> to vector<256x128xf32>
    %add3A_6 = arith.addf %get3A_3, %add3A : vector<256x128xf32>
    %get3A_7 = arith.constant 0 : index
    %get3A_8 = arith.constant 0 : index
    %get3A_9 = arith.constant 0 : index
    %get3A_10 = arith.constant 0 : index
    %get3A_11 = arith.constant 0 : index
    %get3A_12 = vector.load %arg2[%get3A_7, %get3A_8, %get3A_9, %get3A_10, %get3A_11] : memref<3x1x3x256x128xf32, #tpu.memory_space<vmem>>, vector<1x1x1x256x128xf32>
    %get3A_13 = vector.shape_cast %get3A_12 : vector<1x1x1x256x128xf32> to vector<256x128xf32>
    %get3A_14 = arith.constant 1 : index
    %get3A_15 = arith.constant 0 : index
    %get3A_16 = arith.constant 0 : index
    %get3A_17 = arith.constant 0 : index
    %get3A_18 = arith.constant 0 : index
    %get3A_19 = vector.load %arg2[%get3A_14, %get3A_15, %get3A_16, %get3A_17, %get3A_18] : memref<3x1x3x256x128xf32, #tpu.memory_space<vmem>>, vector<1x1x1x256x128xf32>
    %get3A_20 = vector.shape_cast %get3A_19 : vector<1x1x1x256x128xf32> to vector<256x128xf32>
    %add3A_21 = arith.addf %get3A_13, %get3A_20 : vector<256x128xf32>
    %get3A_22 = arith.constant 2 : index
    %get3A_23 = arith.constant 0 : index
    %get3A_24 = arith.constant 0 : index
    %get3A_25 = arith.constant 0 : index
    %get3A_26 = arith.constant 0 : index
    %get3A_27 = vector.load %arg2[%get3A_22, %get3A_23, %get3A_24, %get3A_25, %get3A_26] : memref<3x1x3x256x128xf32, #tpu.memory_space<vmem>>, vector<1x1x1x256x128xf32>
    %get3A_28 = vector.shape_cast %get3A_27 : vector<1x1x1x256x128xf32> to vector<256x128xf32>
    %add3A_29 = arith.addf %add3A_21, %get3A_28 : vector<256x128xf32>
    %sub3A = arith.subf %add3A_6, %add3A_29 : vector<256x128xf32>
    %get3A_30 = arith.constant 0 : index
    %get3A_31 = arith.constant 0 : index
    %get3A_32 = arith.constant 1 : index
    %get3A_33 = arith.constant 0 : index
    %get3A_34 = arith.constant 0 : index
    %get3A_35 = vector.load %arg2[%get3A_30, %get3A_31, %get3A_32, %get3A_33, %get3A_34] : memref<3x1x3x256x128xf32, #tpu.memory_space<vmem>>, vector<1x1x1x256x128xf32>
    %get3A_36 = vector.shape_cast %get3A_35 : vector<1x1x1x256x128xf32> to vector<256x128xf32>
    %get3A_37 = arith.constant 1 : index
    %get3A_38 = arith.constant 0 : index
    %get3A_39 = arith.constant 1 : index
    %get3A_40 = arith.constant 0 : index
    %get3A_41 = arith.constant 0 : index
    %get3A_42 = vector.load %arg2[%get3A_37, %get3A_38, %get3A_39, %get3A_40, %get3A_41] : memref<3x1x3x256x128xf32, #tpu.memory_space<vmem>>, vector<1x1x1x256x128xf32>
    %get3A_43 = vector.shape_cast %get3A_42 : vector<1x1x1x256x128xf32> to vector<256x128xf32>
    %add3A_44 = arith.addf %get3A_36, %get3A_43 : vector<256x128xf32>
    %get3A_45 = arith.constant 2 : index
    %get3A_46 = arith.constant 0 : index
    %get3A_47 = arith.constant 1 : index
    %get3A_48 = arith.constant 0 : index
    %get3A_49 = arith.constant 0 : index
    %get3A_50 = vector.load %arg2[%get3A_45, %get3A_46, %get3A_47, %get3A_48, %get3A_49] : memref<3x1x3x256x128xf32, #tpu.memory_space<vmem>>, vector<1x1x1x256x128xf32>
    %get3A_51 = vector.shape_cast %get3A_50 : vector<1x1x1x256x128xf32> to vector<256x128xf32>
    %add3A_52 = arith.addf %add3A_44, %get3A_51 : vector<256x128xf32>
    %sub3A_53 = arith.subf %add3A_6, %add3A_52 : vector<256x128xf32>
    %get3A_54 = arith.constant 0 : index
    %get3A_55 = arith.constant 0 : index
    %get3A_56 = arith.constant 2 : index
    %get3A_57 = arith.constant 0 : index
    %get3A_58 = arith.constant 0 : index
    %get3A_59 = vector.load %arg2[%get3A_54, %get3A_55, %get3A_56, %get3A_57, %get3A_58] : memref<3x1x3x256x128xf32, #tpu.memory_space<vmem>>, vector<1x1x1x256x128xf32>
    %get3A_60 = vector.shape_cast %get3A_59 : vector<1x1x1x256x128xf32> to vector<256x128xf32>
    %get3A_61 = arith.constant 1 : index
    %get3A_62 = arith.constant 0 : index
    %get3A_63 = arith.constant 2 : index
    %get3A_64 = arith.constant 0 : index
    %get3A_65 = arith.constant 0 : index
    %get3A_66 = vector.load %arg2[%get3A_61, %get3A_62, %get3A_63, %get3A_64, %get3A_65] : memref<3x1x3x256x128xf32, #tpu.memory_space<vmem>>, vector<1x1x1x256x128xf32>
    %get3A_67 = vector.shape_cast %get3A_66 : vector<1x1x1x256x128xf32> to vector<256x128xf32>
    %add3A_68 = arith.addf %get3A_60, %get3A_67 : vector<256x128xf32>
    %get3A_69 = arith.constant 2 : index
    %get3A_70 = arith.constant 0 : index
    %get3A_71 = arith.constant 2 : index
    %get3A_72 = arith.constant 0 : index
    %get3A_73 = arith.constant 0 : index
    %get3A_74 = vector.load %arg2[%get3A_69, %get3A_70, %get3A_71, %get3A_72, %get3A_73] : memref<3x1x3x256x128xf32, #tpu.memory_space<vmem>>, vector<1x1x1x256x128xf32>
    %get3A_75 = vector.shape_cast %get3A_74 : vector<1x1x1x256x128xf32> to vector<256x128xf32>
    %add3A_76 = arith.addf %add3A_68, %get3A_75 : vector<256x128xf32>
    %sub3A_77 = arith.subf %add3A_6, %add3A_76 : vector<256x128xf32>
    %concatenate3A = tpu.concatenate %sub3A, %sub3A_53, %sub3A_77 in 1 : vector<256x128xf32>, vector<256x128xf32>, vector<256x128xf32> -> vector<256x384xf32>
    %swap3A = arith.constant 0 : index
    %swap3A_78 = arith.constant 0 : index
    %swap3A_79 = arith.constant 0 : index
    %swap3A_80 = vector.load %arg5[%swap3A, %swap3A_78, %swap3A_79] : memref<1x256x384xf32, #tpu.memory_space<vmem>>, vector<1x256x384xf32>
    %swap3A_81 = vector.shape_cast %swap3A_80 : vector<1x256x384xf32> to vector<256x384xf32>
    %swap3A_82 = vector.shape_cast %concatenate3A : vector<256x384xf32> to vector<1x256x384xf32>
    tpu.vector_store %arg5[%swap3A, %swap3A_78, %swap3A_79], %swap3A_82 {strides = array<i32>} : memref<1x256x384xf32, #tpu.memory_space<vmem>>, vector<1x256x384xf32>,
    %eq3A = arith.constant 0 : i32
    %eq3A_83 = arith.cmpi eq, %arg0, %eq3A : i32
    %eq3A_84 = arith.constant 0 : i32
    %eq3A_85 = arith.cmpi eq, %arg1, %eq3A_84 : i32
    %and3A = arith.andi %eq3A_83, %eq3A_85 : i1
    %convert_element_type3A = arith.extui %and3A : i1 to i32
    %cond3A = arith.constant 0 : i32
    %cond3A_86 = arith.cmpi ne, %convert_element_type3A, %cond3A : i32
    scf.if %cond3A_86 {
      %broadcast_in_dim3A_110 = arith.constant 0.000000e+00 : f32
      %broadcast_in_dim3A_111 = vector.broadcast %broadcast_in_dim3A_110 : f32 to vector<2x384xf32>
      %swap3A_112 = arith.constant 0 : index
      %swap3A_113 = arith.constant 0 : index
      %swap3A_114 = vector.load %arg6[%swap3A_112, %swap3A_113] : memref<2x384xf32, #tpu.memory_space<vmem>>, vector<2x384xf32>
      tpu.vector_store %arg6[%swap3A_112, %swap3A_113], %broadcast_in_dim3A_111 {strides = array<i32>} : memref<2x384xf32, #tpu.memory_space<vmem>>, vector<2x384xf32>,
    } else {
    }
    %get3A_87 = arith.constant 0 : index
    %get3A_88 = arith.constant 0 : index
    %get3A_89 = vector.load %arg6[%get3A_87, %get3A_88] : memref<2x384xf32, #tpu.memory_space<vmem>>, vector<1x384xf32>
    %get3A_90 = vector.shape_cast %get3A_89 : vector<1x384xf32> to vector<384xf32>
    %reduce_sum3A = arith.constant dense<0.000000e+00> : vector<384xf32>
    %reduce_sum3A_91 = vector.multi_reduction <add>, %concatenate3A, %reduce_sum3A [0] : vector<256x384xf32> to vector<384xf32>
    %add3A_92 = arith.addf %get3A_90, %reduce_sum3A_91 : vector<384xf32>
    %swap3A_93 = arith.constant 0 : index
    %swap3A_94 = arith.constant 0 : index
    %swap3A_95 = vector.load %arg6[%swap3A_93, %swap3A_94] : memref<2x384xf32, #tpu.memory_space<vmem>>, vector<1x384xf32>
    %swap3A_96 = vector.shape_cast %swap3A_95 : vector<1x384xf32> to vector<384xf32>
    %swap3A_97 = vector.shape_cast %add3A_92 : vector<384xf32> to vector<1x384xf32>
    tpu.vector_store %arg6[%swap3A_93, %swap3A_94], %swap3A_97 {strides = array<i32>} : memref<2x384xf32, #tpu.memory_space<vmem>>, vector<1x384xf32>,
    %get3A_98 = arith.constant 1 : index
    %get3A_99 = arith.constant 0 : index
    %get3A_100 = vector.load %arg6[%get3A_98, %get3A_99] : memref<2x384xf32, #tpu.memory_space<vmem>>, vector<1x384xf32>
    %get3A_101 = vector.shape_cast %get3A_100 : vector<1x384xf32> to vector<384xf32>
    %mul3A = arith.mulf %concatenate3A, %concatenate3A : vector<256x384xf32>
    %reduce_sum3A_102 = arith.constant dense<0.000000e+00> : vector<384xf32>
    %reduce_sum3A_103 = vector.multi_reduction <add>, %mul3A, %reduce_sum3A_102 [0] : vector<256x384xf32> to vector<384xf32>
    %add3A_104 = arith.addf %get3A_101, %reduce_sum3A_103 : vector<384xf32>
    %swap3A_105 = arith.constant 1 : index
    %swap3A_106 = arith.constant 0 : index
    %swap3A_107 = vector.load %arg6[%swap3A_105, %swap3A_106] : memref<2x384xf32, #tpu.memory_space<vmem>>, vector<1x384xf32>
    %swap3A_108 = vector.shape_cast %swap3A_107 : vector<1x384xf32> to vector<384xf32>
    %swap3A_109 = vector.shape_cast %add3A_104 : vector<384xf32> to vector<1x384xf32>
    tpu.vector_store %arg6[%swap3A_105, %swap3A_106], %swap3A_109 {strides = array<i32>} : memref<2x384xf32, #tpu.memory_space<vmem>>, vector<1x384xf32>,
    return
  }
  func.func @transform_0(%arg0: i32, %arg1: i32) -> (i32, i32, i32, i32, i32) {
    %c0_i32 = arith.constant 0 : i32
    %c0_i32_0 = arith.constant 0 : i32
    %c0_i32_1 = arith.constant 0 : i32
    %c0_i32_2 = arith.constant 0 : i32
    return %c0_i32, %arg0, %c0_i32_0, %arg1, %c0_i32_1 : i32, i32, i32, i32, i32
  }
  func.func @transform_1(%arg0: i32, %arg1: i32) -> (i32, i32, i32) {
    %c0_i32 = arith.constant 0 : i32
    %c0_i32_0 = arith.constant 0 : i32
    return %arg0, %arg1, %c0_i32 : i32, i32, i32
  }
  func.func @transform_2(%arg0: i32, %arg1: i32) -> i32 {
    %c0_i32 = arith.constant 0 : i32
    %c0_i32_0 = arith.constant 0 : i32
    return %c0_i32 : i32
  }
  func.func @transform_3(%arg0: i32, %arg1: i32) -> (i32, i32, i32) {
    %c0_i32 = arith.constant 0 : i32
    %c0_i32_0 = arith.constant 0 : i32
    return %arg0, %arg1, %c0_i32 : i32, i32, i32
  }
  func.func @transform_4(%arg0: i32, %arg1: i32) -> (i32, i32) {
    %c0_i32 = arith.constant 0 : i32
    %c0_i32_0 = arith.constant 0 : i32
    %c0_i32_1 = arith.constant 0 : i32
    return %c0_i32, %c0_i32_0 : i32, i32
  }
}

module attributes {stable_mosaic.version = 14 : i64} {
  func.func @_k5_body(%arg0: i32, %arg1: i32, %arg2: memref<1x256x384xf32, #tpu.memory_space<vmem>>, %arg3: memref<2x384xf32, #tpu.memory_space<vmem>>, %arg4: memref<384x128xf32, #tpu.memory_space<vmem>>, %arg5: memref<128xf32, #tpu.memory_space<vmem>>, %arg6: memref<128xf32, #tpu.memory_space<vmem>>, %arg7: memref<128xf32, #tpu.memory_space<vmem>>, %arg8: memref<1x256x128xf32, #tpu.memory_space<vmem>>, %arg9: memref<2x128xf32, #tpu.memory_space<vmem>>) attributes {dimension_semantics = [#tpu.dimension_semantics<arbitrary>, #tpu.dimension_semantics<arbitrary>], iteration_bounds = array<i64: 4, 8>, scalar_prefetch = 0 : i64, scratch_operands = 0 : i64, tpu.core_type = #tpu.core_type<tc>, window_params = [{transform_indices = @transform_0, window_bounds = array<i64: 1, 256, 384>}, {pipeline_mode = #tpu.pipeline_mode<synchronous>, transform_indices = @transform_1, window_bounds = array<i64: 2, 384>}, {pipeline_mode = #tpu.pipeline_mode<synchronous>, transform_indices = @transform_2, window_bounds = array<i64: 384, 128>}, {pipeline_mode = #tpu.pipeline_mode<synchronous>, transform_indices = @transform_3, window_bounds = array<i64: 128>}, {pipeline_mode = #tpu.pipeline_mode<synchronous>, transform_indices = @transform_4, window_bounds = array<i64: 128>}, {pipeline_mode = #tpu.pipeline_mode<synchronous>, transform_indices = @transform_5, window_bounds = array<i64: 128>}, {transform_indices = @transform_6, window_bounds = array<i64: 1, 256, 128>}, {pipeline_mode = #tpu.pipeline_mode<synchronous>, transform_indices = @transform_7, window_bounds = array<i64: 2, 128>}]} {
    %get3A = arith.constant 0 : index
    %get3A_0 = arith.constant 0 : index
    %get3A_1 = vector.load %arg3[%get3A, %get3A_0] : memref<2x384xf32, #tpu.memory_space<vmem>>, vector<1x384xf32>
    %get3A_2 = vector.shape_cast %get3A_1 : vector<1x384xf32> to vector<384xf32>
    %get3A_3 = arith.constant 1 : index
    %get3A_4 = arith.constant 0 : index
    %get3A_5 = vector.load %arg3[%get3A_3, %get3A_4] : memref<2x384xf32, #tpu.memory_space<vmem>>, vector<1x384xf32>
    %get3A_6 = vector.shape_cast %get3A_5 : vector<1x384xf32> to vector<384xf32>
    %slice3A = vector.extract_strided_slice %get3A_2 {offsets = [0], sizes = [128], strides = [1]} : vector<384xf32> to vector<128xf32>
    %slice3A_7 = vector.extract_strided_slice %get3A_2 {offsets = [128], sizes = [128], strides = [1]} : vector<384xf32> to vector<128xf32>
    %add3A = arith.addf %slice3A, %slice3A_7 : vector<128xf32>
    %slice3A_8 = vector.extract_strided_slice %get3A_2 {offsets = [256], sizes = [128], strides = [1]} : vector<384xf32> to vector<128xf32>
    %add3A_9 = arith.addf %add3A, %slice3A_8 : vector<128xf32>
    %div3A = arith.constant 4.915200e+04 : f32
    %div3A_10 = vector.broadcast %div3A : f32 to vector<128xf32>
    %div3A_11 = arith.divf %add3A_9, %div3A_10 : vector<128xf32>
    %slice3A_12 = vector.extract_strided_slice %get3A_6 {offsets = [0], sizes = [128], strides = [1]} : vector<384xf32> to vector<128xf32>
    %slice3A_13 = vector.extract_strided_slice %get3A_6 {offsets = [128], sizes = [128], strides = [1]} : vector<384xf32> to vector<128xf32>
    %add3A_14 = arith.addf %slice3A_12, %slice3A_13 : vector<128xf32>
    %slice3A_15 = vector.extract_strided_slice %get3A_6 {offsets = [256], sizes = [128], strides = [1]} : vector<384xf32> to vector<128xf32>
    %add3A_16 = arith.addf %add3A_14, %slice3A_15 : vector<128xf32>
    %div3A_17 = arith.constant 4.915200e+04 : f32
    %div3A_18 = vector.broadcast %div3A_17 : f32 to vector<128xf32>
    %div3A_19 = arith.divf %add3A_16, %div3A_18 : vector<128xf32>
    %mul3A = arith.mulf %div3A_11, %div3A_11 : vector<128xf32>
    %sub3A = arith.subf %div3A_19, %mul3A : vector<128xf32>
    %get3A_20 = arith.constant 0 : index
    %get3A_21 = vector.load %arg5[%get3A_20] : memref<128xf32, #tpu.memory_space<vmem>>, vector<128xf32>
    %add3A_22 = arith.constant 9.99999974E-6 : f32
    %add3A_23 = vector.broadcast %add3A_22 : f32 to vector<128xf32>
    %add3A_24 = arith.addf %sub3A, %add3A_23 : vector<128xf32>
    %rsqrt3A = math.rsqrt %add3A_24 : vector<128xf32>
    %mul3A_25 = arith.mulf %get3A_21, %rsqrt3A : vector<128xf32>
    %get3A_26 = arith.constant 0 : index
    %get3A_27 = vector.load %arg6[%get3A_26] : memref<128xf32, #tpu.memory_space<vmem>>, vector<128xf32>
    %mul3A_28 = arith.mulf %div3A_11, %mul3A_25 : vector<128xf32>
    %sub3A_29 = arith.subf %get3A_27, %mul3A_28 : vector<128xf32>
    %concatenate3A = tpu.concatenate %mul3A_25, %mul3A_25, %mul3A_25 in 0 : vector<128xf32>, vector<128xf32>, vector<128xf32> -> vector<384xf32>
    %concatenate3A_30 = tpu.concatenate %sub3A_29, %sub3A_29, %sub3A_29 in 0 : vector<128xf32>, vector<128xf32>, vector<128xf32> -> vector<384xf32>
    %get3A_31 = arith.constant 0 : index
    %get3A_32 = arith.constant 0 : index
    %get3A_33 = arith.constant 0 : index
    %get3A_34 = vector.load %arg2[%get3A_31, %get3A_32, %get3A_33] : memref<1x256x384xf32, #tpu.memory_space<vmem>>, vector<1x256x384xf32>
    %get3A_35 = vector.shape_cast %get3A_34 : vector<1x256x384xf32> to vector<256x384xf32>
    %broadcast_in_dim3A = vector.shape_cast %concatenate3A : vector<384xf32> to vector<1x384xf32>
    %mul3A_36 = vector.broadcast %broadcast_in_dim3A : vector<1x384xf32> to vector<256x384xf32>
    %mul3A_37 = arith.mulf %get3A_35, %mul3A_36 : vector<256x384xf32>
    %broadcast_in_dim3A_38 = vector.shape_cast %concatenate3A_30 : vector<384xf32> to vector<1x384xf32>
    %add3A_39 = vector.broadcast %broadcast_in_dim3A_38 : vector<1x384xf32> to vector<256x384xf32>
    %add3A_40 = arith.addf %mul3A_37, %add3A_39 : vector<256x384xf32>
    %max3A = arith.constant 0.000000e+00 : f32
    %max3A_41 = vector.broadcast %max3A : f32 to vector<256x384xf32>
    %max3A_42 = arith.maximumf %add3A_40, %max3A_41 : vector<256x384xf32>
    %get3A_43 = arith.constant 0 : index
    %get3A_44 = arith.constant 0 : index
    %get3A_45 = vector.load %arg4[%get3A_43, %get3A_44] : memref<384x128xf32, #tpu.memory_space<vmem>>, vector<384x128xf32>
    %dot_general3A = arith.constant dense<0.000000e+00> : vector<256x128xf32>
    %dot_general3A_46 = tpu.matmul %max3A_42, %get3A_45, %dot_general3A {dimension_numbers = #tpu.dot_dimension_numbers<[1], [0], [0], [1], [0, 0, 1, 1], [], []>, transpose_lhs_hint = false} : vector<256x384xf32>, vector<384x128xf32>, vector<256x128xf32> -> vector<256x128xf32>
    %get3A_47 = arith.constant 0 : index
    %get3A_48 = vector.load %arg7[%get3A_47] : memref<128xf32, #tpu.memory_space<vmem>>, vector<128xf32>
    %broadcast_in_dim3A_49 = vector.shape_cast %get3A_48 : vector<128xf32> to vector<1x128xf32>
    %add3A_50 = vector.broadcast %broadcast_in_dim3A_49 : vector<1x128xf32> to vector<256x128xf32>
    %add3A_51 = arith.addf %dot_general3A_46, %add3A_50 : vector<256x128xf32>
    %swap3A = arith.constant 0 : index
    %swap3A_52 = arith.constant 0 : index
    %swap3A_53 = arith.constant 0 : index
    %swap3A_54 = vector.load %arg8[%swap3A, %swap3A_52, %swap3A_53] : memref<1x256x128xf32, #tpu.memory_space<vmem>>, vector<1x256x128xf32>
    %swap3A_55 = vector.shape_cast %swap3A_54 : vector<1x256x128xf32> to vector<256x128xf32>
    %swap3A_56 = vector.shape_cast %add3A_51 : vector<256x128xf32> to vector<1x256x128xf32>
    tpu.vector_store %arg8[%swap3A, %swap3A_52, %swap3A_53], %swap3A_56 {strides = array<i32>} : memref<1x256x128xf32, #tpu.memory_space<vmem>>, vector<1x256x128xf32>,
    %eq3A = arith.constant 0 : i32
    %eq3A_57 = arith.cmpi eq, %arg0, %eq3A : i32
    %eq3A_58 = arith.constant 0 : i32
    %eq3A_59 = arith.cmpi eq, %arg1, %eq3A_58 : i32
    %and3A = arith.andi %eq3A_57, %eq3A_59 : i1
    %convert_element_type3A = arith.extui %and3A : i1 to i32
    %cond3A = arith.constant 0 : i32
    %cond3A_60 = arith.cmpi ne, %convert_element_type3A, %cond3A : i32
    scf.if %cond3A_60 {
      %broadcast_in_dim3A_85 = arith.constant 0.000000e+00 : f32
      %broadcast_in_dim3A_86 = vector.broadcast %broadcast_in_dim3A_85 : f32 to vector<2x128xf32>
      %swap3A_87 = arith.constant 0 : index
      %swap3A_88 = arith.constant 0 : index
      %swap3A_89 = vector.load %arg9[%swap3A_87, %swap3A_88] : memref<2x128xf32, #tpu.memory_space<vmem>>, vector<2x128xf32>
      tpu.vector_store %arg9[%swap3A_87, %swap3A_88], %broadcast_in_dim3A_86 {strides = array<i32>} : memref<2x128xf32, #tpu.memory_space<vmem>>, vector<2x128xf32>,
    } else {
    }
    %get3A_61 = arith.constant 0 : index
    %get3A_62 = arith.constant 0 : index
    %get3A_63 = vector.load %arg9[%get3A_61, %get3A_62] : memref<2x128xf32, #tpu.memory_space<vmem>>, vector<1x128xf32>
    %get3A_64 = vector.shape_cast %get3A_63 : vector<1x128xf32> to vector<128xf32>
    %reduce_sum3A = arith.constant dense<0.000000e+00> : vector<128xf32>
    %reduce_sum3A_65 = vector.multi_reduction <add>, %add3A_51, %reduce_sum3A [0] : vector<256x128xf32> to vector<128xf32>
    %add3A_66 = arith.addf %get3A_64, %reduce_sum3A_65 : vector<128xf32>
    %swap3A_67 = arith.constant 0 : index
    %swap3A_68 = arith.constant 0 : index
    %swap3A_69 = vector.load %arg9[%swap3A_67, %swap3A_68] : memref<2x128xf32, #tpu.memory_space<vmem>>, vector<1x128xf32>
    %swap3A_70 = vector.shape_cast %swap3A_69 : vector<1x128xf32> to vector<128xf32>
    %swap3A_71 = vector.shape_cast %add3A_66 : vector<128xf32> to vector<1x128xf32>
    tpu.vector_store %arg9[%swap3A_67, %swap3A_68], %swap3A_71 {strides = array<i32>} : memref<2x128xf32, #tpu.memory_space<vmem>>, vector<1x128xf32>,
    %get3A_72 = arith.constant 1 : index
    %get3A_73 = arith.constant 0 : index
    %get3A_74 = vector.load %arg9[%get3A_72, %get3A_73] : memref<2x128xf32, #tpu.memory_space<vmem>>, vector<1x128xf32>
    %get3A_75 = vector.shape_cast %get3A_74 : vector<1x128xf32> to vector<128xf32>
    %mul3A_76 = arith.mulf %add3A_51, %add3A_51 : vector<256x128xf32>
    %reduce_sum3A_77 = arith.constant dense<0.000000e+00> : vector<128xf32>
    %reduce_sum3A_78 = vector.multi_reduction <add>, %mul3A_76, %reduce_sum3A_77 [0] : vector<256x128xf32> to vector<128xf32>
    %add3A_79 = arith.addf %get3A_75, %reduce_sum3A_78 : vector<128xf32>
    %swap3A_80 = arith.constant 1 : index
    %swap3A_81 = arith.constant 0 : index
    %swap3A_82 = vector.load %arg9[%swap3A_80, %swap3A_81] : memref<2x128xf32, #tpu.memory_space<vmem>>, vector<1x128xf32>
    %swap3A_83 = vector.shape_cast %swap3A_82 : vector<1x128xf32> to vector<128xf32>
    %swap3A_84 = vector.shape_cast %add3A_79 : vector<128xf32> to vector<1x128xf32>
    tpu.vector_store %arg9[%swap3A_80, %swap3A_81], %swap3A_84 {strides = array<i32>} : memref<2x128xf32, #tpu.memory_space<vmem>>, vector<1x128xf32>,
    return
  }
  func.func @transform_0(%arg0: i32, %arg1: i32) -> (i32, i32, i32) {
    %c0_i32 = arith.constant 0 : i32
    %c0_i32_0 = arith.constant 0 : i32
    return %arg0, %arg1, %c0_i32 : i32, i32, i32
  }
  func.func @transform_1(%arg0: i32, %arg1: i32) -> (i32, i32) {
    %c0_i32 = arith.constant 0 : i32
    %c0_i32_0 = arith.constant 0 : i32
    %c0_i32_1 = arith.constant 0 : i32
    return %c0_i32, %c0_i32_0 : i32, i32
  }
  func.func @transform_2(%arg0: i32, %arg1: i32) -> (i32, i32) {
    %c0_i32 = arith.constant 0 : i32
    %c0_i32_0 = arith.constant 0 : i32
    %c0_i32_1 = arith.constant 0 : i32
    return %c0_i32, %c0_i32_0 : i32, i32
  }
  func.func @transform_3(%arg0: i32, %arg1: i32) -> i32 {
    %c0_i32 = arith.constant 0 : i32
    %c0_i32_0 = arith.constant 0 : i32
    return %c0_i32 : i32
  }
  func.func @transform_4(%arg0: i32, %arg1: i32) -> i32 {
    %c0_i32 = arith.constant 0 : i32
    %c0_i32_0 = arith.constant 0 : i32
    return %c0_i32 : i32
  }
  func.func @transform_5(%arg0: i32, %arg1: i32) -> i32 {
    %c0_i32 = arith.constant 0 : i32
    %c0_i32_0 = arith.constant 0 : i32
    return %c0_i32 : i32
  }
  func.func @transform_6(%arg0: i32, %arg1: i32) -> (i32, i32, i32) {
    %c0_i32 = arith.constant 0 : i32
    %c0_i32_0 = arith.constant 0 : i32
    return %arg0, %arg1, %c0_i32 : i32, i32, i32
  }
  func.func @transform_7(%arg0: i32, %arg1: i32) -> (i32, i32) {
    %c0_i32 = arith.constant 0 : i32
    %c0_i32_0 = arith.constant 0 : i32
    %c0_i32_1 = arith.constant 0 : i32
    return %c0_i32, %c0_i32_0 : i32, i32
  }
}

module attributes {stable_mosaic.version = 14 : i64} {
  func.func @_k6_body(%arg0: i32, %arg1: i32, %arg2: memref<1x256x128xf32, #tpu.memory_space<vmem>>, %arg3: memref<2x128xf32, #tpu.memory_space<vmem>>, %arg4: memref<128xf32, #tpu.memory_space<vmem>>, %arg5: memref<128xf32, #tpu.memory_space<vmem>>, %arg6: memref<1x128x256xf32, #tpu.memory_space<vmem>>) attributes {dimension_semantics = [#tpu.dimension_semantics<arbitrary>, #tpu.dimension_semantics<arbitrary>], iteration_bounds = array<i64: 4, 8>, scalar_prefetch = 0 : i64, scratch_operands = 0 : i64, tpu.core_type = #tpu.core_type<tc>, window_params = [{transform_indices = @transform_0, window_bounds = array<i64: 1, 256, 128>}, {pipeline_mode = #tpu.pipeline_mode<synchronous>, transform_indices = @transform_1, window_bounds = array<i64: 2, 128>}, {pipeline_mode = #tpu.pipeline_mode<synchronous>, transform_indices = @transform_2, window_bounds = array<i64: 128>}, {pipeline_mode = #tpu.pipeline_mode<synchronous>, transform_indices = @transform_3, window_bounds = array<i64: 128>}, {transform_indices = @transform_4, window_bounds = array<i64: 1, 128, 256>}]} {
    %get3A = arith.constant 0 : index
    %get3A_0 = arith.constant 0 : index
    %get3A_1 = vector.load %arg3[%get3A, %get3A_0] : memref<2x128xf32, #tpu.memory_space<vmem>>, vector<1x128xf32>
    %get3A_2 = vector.shape_cast %get3A_1 : vector<1x128xf32> to vector<128xf32>
    %get3A_3 = arith.constant 1 : index
    %get3A_4 = arith.constant 0 : index
    %get3A_5 = vector.load %arg3[%get3A_3, %get3A_4] : memref<2x128xf32, #tpu.memory_space<vmem>>, vector<1x128xf32>
    %get3A_6 = vector.shape_cast %get3A_5 : vector<1x128xf32> to vector<128xf32>
    %div3A = arith.constant 1.638400e+04 : f32
    %div3A_7 = vector.broadcast %div3A : f32 to vector<128xf32>
    %div3A_8 = arith.divf %get3A_2, %div3A_7 : vector<128xf32>
    %div3A_9 = arith.constant 1.638400e+04 : f32
    %div3A_10 = vector.broadcast %div3A_9 : f32 to vector<128xf32>
    %div3A_11 = arith.divf %get3A_6, %div3A_10 : vector<128xf32>
    %mul3A = arith.mulf %div3A_8, %div3A_8 : vector<128xf32>
    %sub3A = arith.subf %div3A_11, %mul3A : vector<128xf32>
    %get3A_12 = arith.constant 0 : index
    %get3A_13 = vector.load %arg4[%get3A_12] : memref<128xf32, #tpu.memory_space<vmem>>, vector<128xf32>
    %add3A = arith.constant 9.99999974E-6 : f32
    %add3A_14 = vector.broadcast %add3A : f32 to vector<128xf32>
    %add3A_15 = arith.addf %sub3A, %add3A_14 : vector<128xf32>
    %rsqrt3A = math.rsqrt %add3A_15 : vector<128xf32>
    %mul3A_16 = arith.mulf %get3A_13, %rsqrt3A : vector<128xf32>
    %get3A_17 = arith.constant 0 : index
    %get3A_18 = vector.load %arg5[%get3A_17] : memref<128xf32, #tpu.memory_space<vmem>>, vector<128xf32>
    %mul3A_19 = arith.mulf %div3A_8, %mul3A_16 : vector<128xf32>
    %sub3A_20 = arith.subf %get3A_18, %mul3A_19 : vector<128xf32>
    %get3A_21 = arith.constant 0 : index
    %get3A_22 = arith.constant 0 : index
    %get3A_23 = arith.constant 0 : index
    %get3A_24 = vector.load %arg2[%get3A_21, %get3A_22, %get3A_23] : memref<1x256x128xf32, #tpu.memory_space<vmem>>, vector<1x256x128xf32>
    %get3A_25 = vector.shape_cast %get3A_24 : vector<1x256x128xf32> to vector<256x128xf32>
    %broadcast_in_dim3A = vector.shape_cast %mul3A_16 : vector<128xf32> to vector<1x128xf32>
    %mul3A_26 = vector.broadcast %broadcast_in_dim3A : vector<1x128xf32> to vector<256x128xf32>
    %mul3A_27 = arith.mulf %get3A_25, %mul3A_26 : vector<256x128xf32>
    %broadcast_in_dim3A_28 = vector.shape_cast %sub3A_20 : vector<128xf32> to vector<1x128xf32>
    %add3A_29 = vector.broadcast %broadcast_in_dim3A_28 : vector<1x128xf32> to vector<256x128xf32>
    %add3A_30 = arith.addf %mul3A_27, %add3A_29 : vector<256x128xf32>
    %max3A = arith.constant 0.000000e+00 : f32
    %max3A_31 = vector.broadcast %max3A : f32 to vector<256x128xf32>
    %max3A_32 = arith.maximumf %add3A_30, %max3A_31 : vector<256x128xf32>
    %transpose3A = tpu.transpose %max3A_32, [1, 0] : vector<256x128xf32> -> vector<128x256xf32>
    %swap3A = arith.constant 0 : index
    %swap3A_33 = arith.constant 0 : index
    %swap3A_34 = arith.constant 0 : index
    %swap3A_35 = vector.load %arg6[%swap3A, %swap3A_33, %swap3A_34] : memref<1x128x256xf32, #tpu.memory_space<vmem>>, vector<1x128x256xf32>
    %swap3A_36 = vector.shape_cast %swap3A_35 : vector<1x128x256xf32> to vector<128x256xf32>
    %swap3A_37 = vector.shape_cast %transpose3A : vector<128x256xf32> to vector<1x128x256xf32>
    tpu.vector_store %arg6[%swap3A, %swap3A_33, %swap3A_34], %swap3A_37 {strides = array<i32>} : memref<1x128x256xf32, #tpu.memory_space<vmem>>, vector<1x128x256xf32>,
    return
  }
  func.func @transform_0(%arg0: i32, %arg1: i32) -> (i32, i32, i32) {
    %c0_i32 = arith.constant 0 : i32
    %c0_i32_0 = arith.constant 0 : i32
    return %arg0, %arg1, %c0_i32 : i32, i32, i32
  }
  func.func @transform_1(%arg0: i32, %arg1: i32) -> (i32, i32) {
    %c0_i32 = arith.constant 0 : i32
    %c0_i32_0 = arith.constant 0 : i32
    %c0_i32_1 = arith.constant 0 : i32
    return %c0_i32, %c0_i32_0 : i32, i32
  }
  func.func @transform_2(%arg0: i32, %arg1: i32) -> i32 {
    %c0_i32 = arith.constant 0 : i32
    %c0_i32_0 = arith.constant 0 : i32
    return %c0_i32 : i32
  }
  func.func @transform_3(%arg0: i32, %arg1: i32) -> i32 {
    %c0_i32 = arith.constant 0 : i32
    %c0_i32_0 = arith.constant 0 : i32
    return %c0_i32 : i32
  }
  func.func @transform_4(%arg0: i32, %arg1: i32) -> (i32, i32, i32) {
    %c0_i32 = arith.constant 0 : i32
    %c0_i32_0 = arith.constant 0 : i32
    return %arg0, %c0_i32, %arg1 : i32, i32, i32
  }
}

</mosaic_0001>

<sc_bundles>
// kernel: kernel.12.cloned.1.call-start
scs
__scs_entry_jumppad:
0x0: {  	(pc) =	sbr.rel $0x88, $3  }
0x1: {  	(tag) =	ssettag $0x0;
	lr =	simm.s32 $0x1  }
0x2: {  	[smem:$0x3F98] =	sst lr;
	_ =	strace $0xD0000000  }
0x3: {  	_ = 	snop  }
0x4: {  	_ = 	snop  }
0x5: {  	_ = 	snop  }
0x6: {  	_ = 	snop  }
0x7: {  	_ = 	snop  }
__scs_overlays_trampoline_lowered:
0x8: {  	[smem:$0x3FA7] =	sst s0  }
0x9: {  	[smem:$0x3FA8] =	sst s1  }
0xa: {  	[smem:$0x3FA9] =	sst s2  }
0xb: {  	[smem:$0x3FAA] =	sst s3  }
0xc: {  	[smem:$0x3FAB] =	sst s4  }
0xd: {  	[smem:$0x3FAC] =	sst s5  }
0xe: {  	[smem:$0x3FAD] =	sst s6  }
0xf: {  	[smem:$0x3FAE] =	sst s7  }
0x10: {  	[smem:$0x3FAF] =	sst s8  }
0x11: {  	[smem:$0x3FB0] =	sst s9;
	s0 =	simm.s32 @!p0 $0x0  }
0x12: {  	s1 =	sld [smem:$0x3F96];
	s0 =	simm.s32 @p0 $0x1  }
0x13: {  	[smem:$0x3FB1] =	sst s0;
	s0 =	simm.s32 @!p1 $0x0  }
0x14: {  	s2 =	sld [smem:$0x3F95];
	s0 =	simm.s32 @p1 $0x1  }
0x15: {  	[smem:$0x3FB2] =	sst s0;
	s0 =	simm.s32 @!p2 $0x0  }
0x16: {  	s3 =	sld [smem:$0x3FDB];
	s0 =	simm.s32 @p2 $0x1  }
0x17: {  	s4 =	simm.s32 $0x1BF5;
	[smem:$0x3FB4] =	sst s0  }
0x18: {  	s0 =	sld [smem:$0x3F97];
	_ =	swait.ge [sflag:s4], $0x0  }
0x19: {  	s7 =	sld [smem:$0x3F98]  }
0x1a: {  	s8 =	sadd.s32 $0xFFFFE003, lr  }
0x1b: {  	s9 =	sadd.s32 $0xFFFFFEF7, lr;
	s5 =	simm.s32 $0xFFFFFFFF;
	p2 =	slt.u32 s8, $0xFFFFF086  }
0x1c: {  	p1 =	slt.u32 s9, $0xF7A;
	s5 =	simm.s32 @!p2 $0x0  }
0x1d: {  	s5 =	simm.s32 @p1 $0x1;
	p0 =	seq.s32 s7, s2  }
0x1e: {  	s7 =	smul.u32 @!p0 $0xF7A, s2;
	p2 =	seq.s32 @!p0 s5, $0x0  }
0x1f: {  	s9 =	smul.u32 $0xF7A, s1;
	s8 =	simm.s32 @!p0 $0x1BF5;
	p2 =	por !p2, p0  }
0x20: {  	[sflag:s8] =	ssyncset.s32 @!p0 $0xFFFFF086;
	s6 =	sadd.s32 @!p0 s3, s7;
	s7 =	simm.s32 @!p0 $0x108  }
0x21: {  	s3 =	sadd.s32 s3, s9;
	s6 =	sadd.s32 @!p0 $0x88, s6;
	s7 =	simm.s32 @p2 $0x1082  }
0x22: {  	[simem:s7], [sflag:s8] =	dma.local @!p0 [hbm:s6], $0xF7A  }
0x23: {  	s9 =	sor.u32 $0xD0000000, s2;
	s6 =	simm.s32 $0x108;
	_ =	swait.ge @!p0 [sflag:s8], $0x0  }
0x24: {  	s3 =	sadd.s32 $0x88, s3;
	s6 =	simm.s32 @!p1 $0x1082;
	[sflag:s4] =	ssyncset.s32 $0xFFFFF086  }
0x25: {  	[simem:s6], [sflag:s4] =	dma.local [hbm:s3], $0xF7A  }
0x26: {  	[smem:$0x3F98] =	sst s1;
	(tag) =	ssettag s2;
	_ =	strace s9  }
0x27: {  	s1 =	sld [smem:$0x3FA8]  }
0x28: {  	s2 =	sld [smem:$0x3FA9]  }
0x29: {  	s4 =	sld [smem:$0x3FAB]  }
0x2a: {  	p0 =	seq.s32 s5, $0x0;
	s5 =	sld [smem:$0x3FAC]  }
0x2b: {  	s6 =	sld [smem:$0x3FAD]  }
0x2c: {  	s7 =	sld [smem:$0x3FAE]  }
0x2d: {  	s3 =	simm.s32 $0x108;
	s8 =	sld [smem:$0x3FAF]  }
0x2e: {  	s3 =	simm.s32 @!p0 $0x1082;
	s9 =	sld [smem:$0x3FB0]  }
0x2f: {  	lr =	sadd.s32 s0, s3;
	s0 =	sld [smem:$0x3FA7]  }
0x30: {  	s3 =	sld [smem:$0x3FAA]  }
0x31: {  	[smem:$0x3FB3] =	sst s10  }
0x32: {  	s10 =	sld [smem:$0x3FB1];
	_ =	sdelay $0x3  }
0x33: {  	p0 =	seq.s32 s10, $0x1;
	s10 =	sld [smem:$0x3FB3];
	_ =	sdelay $0x3  }
0x34: {  	[smem:$0x3FB3] =	sst s10  }
0x35: {  	s10 =	sld [smem:$0x3FB2];
	_ =	sdelay $0x3  }
0x36: {  	p1 =	seq.s32 s10, $0x1;
	s10 =	sld [smem:$0x3FB3];
	_ =	sdelay $0x3  }
0x37: {  	[smem:$0x3FB3] =	sst s10  }
0x38: {  	s10 =	sld [smem:$0x3FB4]  }
0x39: {  	_ = 	snop;
	(pc) =	sbr.ind lr, $3  }
0x3a: {  	_ = 	snop  }
0x3b: {  	_ = 	snop  }
0x3c: {  	p2 =	seq.s32 s10, $0x1;
	s10 =	sld [smem:$0x3FB3]  }
0x3d: {  	_ =	shalt  }
0x3e: {  	_ =	shalt  }
0x3f: {  	_ =	shalt  }
0x40: {  	_ =	shalt  }
0x41: {  	_ =	shalt  }
0x42: {  	_ =	shalt  }
0x43: {  	_ =	shalt  }
0x44: {  	_ =	shalt  }
0x45: {  	_ =	shalt  }
0x46: {  	_ =	shalt  }
0x47: {  	_ =	shalt  }
0x48: {  	_ =	shalt  }
0x49: {  	_ =	shalt  }
0x4a: {  	_ =	shalt  }
0x4b: {  	_ =	shalt  }
0x4c: {  	_ =	shalt  }
0x4d: {  	_ =	shalt  }
0x4e: {  	_ =	shalt  }
0x4f: {  	_ =	shalt  }
0x50: {  	_ =	shalt  }
0x51: {  	_ =	shalt  }
0x52: {  	_ =	shalt  }
0x53: {  	_ =	shalt  }
0x54: {  	_ =	shalt  }
0x55: {  	_ =	shalt  }
0x56: {  	_ =	shalt  }
0x57: {  	_ =	shalt  }
0x58: {  	_ =	shalt  }
0x59: {  	_ =	shalt  }
0x5a: {  	_ =	shalt  }
0x5b: {  	_ =	shalt  }
0x5c: {  	_ =	shalt  }
0x5d: {  	_ =	shalt  }
0x5e: {  	_ =	shalt  }
0x5f: {  	_ =	shalt  }
0x60: {  	_ =	shalt  }
0x61: {  	_ =	shalt  }
0x62: {  	_ =	shalt  }
0x63: {  	_ =	shalt  }
0x64: {  	_ =	shalt  }
0x65: {  	_ =	shalt  }
0x66: {  	_ =	shalt  }
0x67: {  	_ =	shalt  }
0x68: {  	_ =	shalt  }
0x69: {  	_ =	shalt  }
0x6a: {  	_ =	shalt  }
0x6b: {  	_ =	shalt  }
0x6c: {  	_ =	shalt  }
0x6d: {  	_ =	shalt  }
0x6e: {  	_ =	shalt  }
0x6f: {  	_ =	shalt  }
0x70: {  	_ =	shalt  }
0x71: {  	_ =	shalt  }
0x72: {  	_ =	shalt  }
0x73: {  	_ =	shalt  }
0x74: {  	_ =	shalt  }
0x75: {  	_ =	shalt  }
0x76: {  	_ =	shalt  }
0x77: {  	_ =	shalt  }
0x78: {  	_ =	shalt  }
0x79: {  	_ =	shalt  }
0x7a: {  	_ =	shalt  }
0x7b: {  	_ =	shalt  }
0x7c: {  	_ =	shalt  }
0x7d: {  	_ =	shalt  }
0x7e: {  	_ =	shalt  }
0x7f: {  	_ =	shalt  }
0x80: {  	_ =	shalt  }
0x81: {  	_ =	shalt  }
0x82: {  	_ =	shalt  }
0x83: {  	_ =	shalt  }
0x84: {  	_ =	shalt  }
0x85: {  	_ =	shalt  }
0x86: {  	_ =	shalt  }
0x87: {  	_ =	shalt  }
.Lfunc_end0:
.L_simem_size_0:
called_computation_lowered:
.L_overlay_start_0:
0x88: {  	s2 =	sld [smem:$0x3FD9]  }
0x89: {  	s3 =	sld [smem:$0x3FFE];
	_ =	sdelay $0x1  }
0x8a: {  	s1 =	srdreg.scid  }
0x8b: {  	s0 =	sand.u32 $0x1, s1  }
0x8c: {  	s17 =	sshll.u32 s0, $0xA;
	s2 =	sadd.s32 s3, s2  }
0x8d: {  	s2 =	sadd.s32 s2, s17  }
0x8e: {  	[smem:$0x3FBF] =	sst s2  }
0x8f: {  	_ = 	snop  }
0x90: {  	(tm) =	ssettm $0x1  }
0x91: {  	s18 =	sld [smem:$0x3FFB];
	_ =	sdelay $0x3  }
0x92: {  	_ =	strace s18  }
0x93: {  	s2 =	sld [smem:$0x3FFC];
	_ =	sdelay $0x3  }
0x94: {  	_ =	strace s2  }
0x95: {  	s2 =	sld [smem:$0x3FFD];
	_ =	sdelay $0x3  }
0x96: {  	_ =	strace s2  }
0x97: {  	_ =	strace $0x8FFFFFFF  }
0x98: {  	s19 =	sld [smem:$0x3FDB];
	_ =	sdelay $0x1  }
0x99: {  	s20 =	simm.s32 $_scs_section_size  }
0x9a: {  	s4 =	simm.s32 $_size__tile_overlayer_lowered;
	s5 =	simm.s32 $_tile_overlayer_lowered  }
0x9b: {  	s6 =	simm.s32 $0x1BFF;
	s21 =	sshll.u32 s5, $0x1;
	s3 =	sadd.s32 s20, s19  }
0x9c: {  	s22 =	simm.s32 $0x0;
	s4 =	sshll.u32 s4, $0x1;
	s5 =	sadd.s32 s21, s3  }
0x9d: {  	[timem:s22], [sflag:s6] =	dma.local [hbm:s5], s4  }
0x9e: {  	_ =	swait.ge [sflag:s6], s4  }
0x9f: {  	s4 =	ssub.s32 $0x0, s4;
	[sflag:s6] =	ssyncset.done $0x0  }
0xa0: {  	[sflag:s6] =	ssyncadd.s32 s4;
	_ =	sdelay $0x1  }
0xa1: {  	s23 =	simm.s32 $0x1B8B  }
0xa2: {  	_ =	swait.ge [sflag:s23], $0x1  }
0xa3: {  	[sflag:s23] =	ssyncset.done $0x0  }
0xa4: {  	[sflag:s23] =	ssyncadd.s32 $0xFFFFFFFF  }
0xa5: {  	s4 =	sld [smem:$0x0]  }
0xa6: {  	s5 =	sand.u32 $0xFFFFFFFE, s1  }
0xa7: {  	p0 =	sne.s32 s1, s5  }
0xa8: {  	s5 =	sshll.u32 @p0 s5, $0xE  }
0xa9: {  	s5 =	sadd.s32 @p0 $0x11B8D, s5;
	s6 =	sshll.u32 @p0 s4, $0x11  }
0xaa: {  	s5 =	sor.u32 @p0 s6, s5  }
0xab: {  	[sflag:s5] =	ssyncadd.remote.s32 @p0 $0x1;
	_ =	sdelay $0x1  }
0xac: {  	s5 =	simm.s32 @p0 $0x1B8D  }
0xad: {  	_ =	swait.eq @p0 [sflag:s5], $0x1  }
0xae: {  	[sflag:s5] =	ssyncadd.s32 @p0 $0xFFFFFFFF  }
0xaf: {  	s6 =	sshll.u32 @!p0 s1, $0xE  }
0xb0: {  	s6 =	sor.u32 @!p0 $0x4000, s6;
	s5 =	simm.s32 @!p0 $0x1B8D  }
0xb1: {  	s4 =	sshll.u32 @!p0 s4, $0x11;
	s6 =	sadd.s32 @!p0 $0x11B8D, s6;
	_ =	swait.eq @!p0 [sflag:s5], $0x1  }
0xb2: {  	s4 =	sor.u32 @!p0 s4, s6;
	[sflag:s5] =	ssyncadd.s32 @!p0 $0xFFFFFFFF  }
0xb3: {  	s25 =	simm.s32 $0x1B8E;
	s24 =	sld [smem:$0x3FFE];
	[sflag:s4] =	ssyncadd.remote.s32 @!p0 $0x1  }
0xb4: {  	s26 =	simm.s32 $execute0_lowered;
	[smem:$0x3FD2] =	sst s25  }
0xb5: {  	s5 =	sshll.u32 s26, $0x1;
	_ =	strace $0x80000049;
	[dreg:$0x1] =	wrdreg $0xFFFFFFFF  }
0xb6: {  	s28 =	simm.s32 $_size_execute0_lowered;
	s3 =	sadd.s32 s3, s5;
	[dreg:$0x0] =	wrdreg $0x0  }
0xb7: {  	s5 =	sshll.u32 s28, $0x1;
	[dreg:$0x2] =	wrdreg s3  }
0xb8: {  	[dreg:$0x3] =	wrdreg s5  }
0xb9: {  	[dreg:$0x4] =	wrdreg $0xC0  }
0xba: {  	_ =	task [dreg:s22], $0x5FFFF  }
0xbb: {  	[dreg:$0x1] =	wrdreg $0xFFFFFFFF  }
0xbc: {  	[dreg:$0x0] =	wrdreg $0x60  }
0xbd: {  	[dreg:$0x2] =	wrdreg s24  }
0xbe: {  	[dreg:$0x3] =	wrdreg $0x9  }
0xbf: {  	_ =	task.clear_ibuf [dreg:s22], $0x4FFFF;
	_ =	strace $0x90000049  }
0xc0: {  	s29 =	simm.s32 $0x9;
	_ =	strace $0x8000004B  }
0xc1: {  	_ =	swait.ge [sflag:s29], $0x1  }
0xc2: {  	[sflag:s29] =	ssyncadd.s32 $0xFFFFFFFF  }
0xc3: {  	_ =	strace $0x9000004B  }
0xc4: {  	_ =	sfence  }
0xc5: {  	s30 =	sld [smem:$0x0];
	_ =	sdelay $0x2  }
0xc6: {  	s31 =	sshll.u32 s1, $0xD;
	s1 =	sshrl.u32 s1, $0x2  }
0xc7: {  	s4 =	sand.u32 $0x4000, s31;
	s1 =	sadd.s32 s1, s30  }
0xc8: {  	s0 =	sor.u32 s4, s0;
	s1 =	sshll.u32 s1, $0x11  }
0xc9: {  	s0 =	sor.u32 s1, s0  }
0xca: {  	s0 =	sadd.s32 $0x8F2B, s0  }
0xcb: {  	[sflag:s0] =	ssyncadd.remote.s32 $0x1  }
0xcc: {  	_ =	sfence.sel $0xFFFF  }
0xcd: {  	[dreg:$0x0] =	wrdreg $0xFFFFFFFF;
	(pc) =	sbr.abs _section_cstart, $3  }
0xce: {  	[dreg:$0x1] =	wrdreg $0xFFFFFFFF  }
0xcf: {  	_ =	task.clear_ibuf [dreg:s22], $0x2FFFF;
	_ =	strace $0x9FFFFFFF  }
0xd0: {  	(tm) =	ssettm $0x7FFFFFFF  }
0xd1: {  	_ =	shalt  }
tec
execute0_lowered:
.L_overlay_start_1:
0x0: {  	(tag) =	ssettag $0x1  }
0x1: {  	s0 =	rddreg [dreg:$0x0];
	s2 =	simm.s32 $0x0;
	s6 =	stileid.u32  }
0x2: {  	s1 =	srdreg.scid;
	s11 =	simm.s32 $0x2;
	s12 =	simm.s32 $0x80  }
0x3: {  	s13 =	simm.s32 $0x300;
	s14 =	simm.s32 $0x4300;
	s15 =	simm.s32 $0x100  }
0x4: {  	s16 =	simm.s32 $0x8300;
	s17 =	simm.s32 $0x180;
	s18 =	simm.s32 $0xC300  }
0x5: {  	s19 =	simm.s32 $0x200;
	s20 =	simm.s32 $0x10300;
	s21 =	simm.s32 $0x280  }
0x6: {  	s22 =	simm.s32 $0x14300;
	s23 =	simm.s32 $0x1;
	s4 =	smul.u32 $0x12000, s6  }
0x7: {  	s24 =	simm.s32 $0x0;
	s1 =	sand.u32 $0x1, s1;
	s6 =	smul.u32 $0x1200, s6  }
0x8: {  	[smem:$0x7FF] =	sst s2;
	s3 =	sadd.s32 $0x185A00, s0;
	s5 =	smul.u32 $0x9000, s1  }
0x9: {  	s10 =	sadd.s32 $0x205A00, s0;
	s7 =	ssub.s32 $0x2, s1;
	s1 =	smul.u32 $0x900, s1  }
0xa: {  	_ =	strace $0x8000004A;
	s4 =	sadd.s32 s4, s0;
	s26 =	sshrl.u32 s7, $0x1  }
0xb: {  	s4 =	sadd.s32 s5, s4;
	s0 =	ssub.s32 s7, s26;
	s1 =	sadd.s32 s1, s6  }
0xc: {  	s5 =	sadd.s32 $0x207E00, s4;
	s0 =	smax.u32 s0, $0x1;
	s28 =	sor.u32 $0x80, s1  }
0xd: {  	s6 =	sshrl.u32 s1, $0x3;
	s29 =	sadd.s32 $0x280, s1;
	s31 =	sadd.s32 $0x200, s1  }
0xe: {  	s8 =	sadd.s32 $0x180, s1;
	s1 =	sadd.s32 $0x100, s1;
	[dreg:$0x3] =	wrdreg s0  }
0xf: {  	[dreg:$0x2] =	wrdreg s5;
	s0 =	sshrl.u32 s28, $0x3;
	s30 =	sshrl.u32 s29, $0x3  }
0x10: {  	s9 =	sshrl.u32 s8, $0x3;
	s1 =	sshrl.u32 s1, $0x3;
	s5 =	sadd.s32 s0, s10  }
0x11: {  	s0 =	sadd.s32 s6, s10;
	s7 =	sadd.s32 s30, s10;
	s6 =	sshrl.u32 s31, $0x3  }
0x12: {  	s9 =	sadd.s32 s9, s10;
	s8 =	sadd.s32 s6, s10;
	s10 =	sadd.s32 s1, s10  }
.LBB2_1:
0x13: {  	[tilespmem:s2], [sflag:$0x2] =	stream.linear.gather [hbm4b:s0+s2], $0x80, $0x38;
	[tilespmem:$0x18300] =	vst v63  }
0x14: {  	_ =	swait.ge [sflag:s11], $0x80  }
0x15: {  	[sflag:s11] =	ssyncset.done $0x0  }
0x16: {  	[sflag:s11] =	ssyncadd.s32 $0xFFFFFF80  }
0x17: {  	[tilespmem:s13], [sflag:$0x1] =	stream.indirect.gather [hbm4b:s3+s12], $0x80, s2, s12, $0xb8;
	[tilespmem:$0x18300] =	vst v63  }
0x18: {  	_ = 	snop  }
0x19: {  	[tilespmem:s12], [sflag:$0x2] =	stream.linear.gather [hbm4b:s5+s2], $0x80, $0x38;
	[tilespmem:$0x18300] =	vst v63  }
0x1a: {  	_ =	swait.ge [sflag:s11], $0x80  }
0x1b: {  	[sflag:s11] =	ssyncset.done $0x0  }
0x1c: {  	[sflag:s11] =	ssyncadd.s32 $0xFFFFFF80  }
0x1d: {  	[tilespmem:s14], [sflag:$0x1] =	stream.indirect.gather [hbm4b:s3+s12], $0x80, s12, s12, $0xb8;
	[tilespmem:$0x18300] =	vst v63  }
0x1e: {  	_ = 	snop  }
0x1f: {  	[tilespmem:s15], [sflag:$0x2] =	stream.linear.gather [hbm4b:s10+s2], $0x80, $0x38;
	[tilespmem:$0x18300] =	vst v63  }
0x20: {  	_ =	swait.ge [sflag:s11], $0x80  }
0x21: {  	[sflag:s11] =	ssyncset.done $0x0  }
0x22: {  	[sflag:s11] =	ssyncadd.s32 $0xFFFFFF80  }
0x23: {  	[tilespmem:s16], [sflag:$0x1] =	stream.indirect.gather [hbm4b:s3+s12], $0x80, s15, s12, $0xb8;
	[tilespmem:$0x18300] =	vst v63  }
0x24: {  	_ = 	snop  }
0x25: {  	[tilespmem:s17], [sflag:$0x2] =	stream.linear.gather [hbm4b:s9+s2], $0x80, $0x38;
	[tilespmem:$0x18300] =	vst v63  }
0x26: {  	_ =	swait.ge [sflag:s11], $0x80  }
0x27: {  	[sflag:s11] =	ssyncset.done $0x0  }
0x28: {  	[sflag:s11] =	ssyncadd.s32 $0xFFFFFF80  }
0x29: {  	[tilespmem:s18], [sflag:$0x1] =	stream.indirect.gather [hbm4b:s3+s12], $0x80, s17, s12, $0xb8;
	[tilespmem:$0x18300] =	vst v63  }
0x2a: {  	_ = 	snop  }
0x2b: {  	[tilespmem:s19], [sflag:$0x2] =	stream.linear.gather [hbm4b:s8+s2], $0x80, $0x38;
	[tilespmem:$0x18300] =	vst v63  }
0x2c: {  	_ =	swait.ge [sflag:s11], $0x80  }
0x2d: {  	[sflag:s11] =	ssyncset.done $0x0  }
0x2e: {  	[sflag:s11] =	ssyncadd.s32 $0xFFFFFF80  }
0x2f: {  	[tilespmem:s20], [sflag:$0x1] =	stream.indirect.gather [hbm4b:s3+s12], $0x80, s19, s12, $0xb8;
	[tilespmem:$0x18300] =	vst v63  }
0x30: {  	_ = 	snop  }
0x31: {  	[tilespmem:s21], [sflag:$0x2] =	stream.linear.gather [hbm4b:s7+s2], $0x80, $0x38;
	[tilespmem:$0x18300] =	vst v63  }
0x32: {  	_ =	swait.ge [sflag:s11], $0x80  }
0x33: {  	[sflag:s11] =	ssyncset.done $0x0  }
0x34: {  	[sflag:s11] =	ssyncadd.s32 $0xFFFFFF80  }
0x35: {  	[tilespmem:s22], [sflag:$0x1] =	stream.indirect.gather [hbm4b:s3+s12], $0x80, s21, s12, $0xb8;
	[tilespmem:$0x18300] =	vst v63  }
0x36: {  	_ =	swait.ge [sflag:s23], $0x4000  }
0x37: {  	s1 =	rddreg [dreg:$0x2];
	[sflag:s23] =	ssyncset.done $0x0  }
0x38: {  	[sflag:s23] =	ssyncadd.s32 $0xFFFFC000;
	s1 =	sadd.s32 $0x0, s1  }
0x39: {  	[hbm4b:s1+s2] =	stream.linear.scatter [tilespmem:s13], [sflag:$0x2], $0x4000, $0x38;
	[tilespmem:$0x18300] =	vst v63  }
0x3a: {  	_ =	swait.ge [sflag:s11], $0x4000  }
0x3b: {  	[sflag:s11] =	ssyncset.done $0x0  }
0x3c: {  	[sflag:s11] =	ssyncadd.s32 $0xFFFFC000  }
0x3d: {  	_ =	swait.ge [sflag:s23], $0x4000  }
0x3e: {  	[sflag:s23] =	ssyncset.done $0x0  }
0x3f: {  	s6 =	sadd.s32 $0x800, s1;
	[sflag:s23] =	ssyncadd.s32 $0xFFFFC000  }
0x40: {  	[hbm4b:s6+s2] =	stream.linear.scatter [tilespmem:s14], [sflag:$0x2], $0x4000, $0x38;
	[tilespmem:$0x18300] =	vst v63  }
0x41: {  	_ =	swait.ge [sflag:s11], $0x4000  }
0x42: {  	[sflag:s11] =	ssyncset.done $0x0  }
0x43: {  	[sflag:s11] =	ssyncadd.s32 $0xFFFFC000  }
0x44: {  	_ =	swait.ge [sflag:s23], $0x4000  }
0x45: {  	[sflag:s23] =	ssyncset.done $0x0  }
0x46: {  	s4 =	sadd.s32 $0x1000, s1;
	[sflag:s23] =	ssyncadd.s32 $0xFFFFC000  }
0x47: {  	[hbm4b:s4+s2] =	stream.linear.scatter [tilespmem:s16], [sflag:$0x2], $0x4000, $0x38;
	[tilespmem:$0x18300] =	vst v63  }
0x48: {  	_ =	swait.ge [sflag:s11], $0x4000  }
0x49: {  	[sflag:s11] =	ssyncset.done $0x0  }
0x4a: {  	[sflag:s11] =	ssyncadd.s32 $0xFFFFC000  }
0x4b: {  	_ =	swait.ge [sflag:s23], $0x4000  }
0x4c: {  	[sflag:s23] =	ssyncset.done $0x0  }
0x4d: {  	s25 =	sadd.s32 $0x1800, s1;
	[sflag:s23] =	ssyncadd.s32 $0xFFFFC000  }
0x4e: {  	[hbm4b:s25+s2] =	stream.linear.scatter [tilespmem:s18], [sflag:$0x2], $0x4000, $0x38;
	[tilespmem:$0x18300] =	vst v63  }
0x4f: {  	_ =	swait.ge [sflag:s11], $0x4000  }
0x50: {  	[sflag:s11] =	ssyncset.done $0x0  }
0x51: {  	[sflag:s11] =	ssyncadd.s32 $0xFFFFC000  }
0x52: {  	_ =	swait.ge [sflag:s23], $0x4000  }
0x53: {  	[sflag:s23] =	ssyncset.done $0x0  }
0x54: {  	s26 =	sadd.s32 $0x2000, s1;
	[sflag:s23] =	ssyncadd.s32 $0xFFFFC000  }
0x55: {  	[hbm4b:s26+s2] =	stream.linear.scatter [tilespmem:s20], [sflag:$0x2], $0x4000, $0x38;
	[tilespmem:$0x18300] =	vst v63  }
0x56: {  	_ =	swait.ge [sflag:s11], $0x4000  }
0x57: {  	[sflag:s11] =	ssyncset.done $0x0  }
0x58: {  	[sflag:s11] =	ssyncadd.s32 $0xFFFFC000  }
0x59: {  	_ =	swait.ge [sflag:s23], $0x4000  }
0x5a: {  	s28 =	sadd.s32 $0x60, s10;
	s29 =	sadd.s32 $0x60, s7;
	[sflag:s23] =	ssyncset.done $0x0  }
0x5b: {  	s30 =	sadd.s32 $0x60, s8;
	s1 =	sadd.s32 $0x2800, s1;
	[sflag:s23] =	ssyncadd.s32 $0xFFFFC000  }
0x5c: {  	[hbm4b:s1+s2] =	stream.linear.scatter [tilespmem:s22], [sflag:$0x2], $0x4000, $0x38;
	[tilespmem:$0x18300] =	vst v63  }
0x5d: {  	s31 =	smov.u32 s5;
	s6 =	smov.u32 s0;
	_ =	swait.ge [sflag:s11], $0x4000  }
0x5e: {  	s25 =	simm.s32 $0x3000;
	s26 =	sadd.s32 $0x60, s9;
	[sflag:s11] =	ssyncset.done $0x0  }
.LBB2_2:
0x5f: {  	[sflag:s11] =	ssyncadd.s32 $0xFFFFC000;
	s6 =	sadd.s32 $0x60, s6  }
0x60: {  	[tilespmem:s2], [sflag:$0x2] =	stream.linear.gather [hbm4b:s6+s2], $0x80, $0x38;
	[tilespmem:$0x18300] =	vst v63  }
0x61: {  	_ =	swait.ge [sflag:s11], $0x80  }
0x62: {  	[sflag:s11] =	ssyncset.done $0x0  }
0x63: {  	[sflag:s11] =	ssyncadd.s32 $0xFFFFFF80  }
0x64: {  	[tilespmem:s13], [sflag:$0x1] =	stream.indirect.gather [hbm4b:s3+s12], $0x80, s2, s12, $0xb8;
	[tilespmem:$0x18300] =	vst v63  }
0x65: {  	s31 =	sadd.s32 $0x60, s31  }
0x66: {  	[tilespmem:s12], [sflag:$0x2] =	stream.linear.gather [hbm4b:s31+s2], $0x80, $0x38;
	[tilespmem:$0x18300] =	vst v63  }
0x67: {  	_ =	swait.ge [sflag:s11], $0x80  }
0x68: {  	[sflag:s11] =	ssyncset.done $0x0  }
0x69: {  	[sflag:s11] =	ssyncadd.s32 $0xFFFFFF80  }
0x6a: {  	[tilespmem:s14], [sflag:$0x1] =	stream.indirect.gather [hbm4b:s3+s12], $0x80, s12, s12, $0xb8;
	[tilespmem:$0x18300] =	vst v63  }
0x6b: {  	_ = 	snop  }
0x6c: {  	[tilespmem:s15], [sflag:$0x2] =	stream.linear.gather [hbm4b:s28+s2], $0x80, $0x38;
	[tilespmem:$0x18300] =	vst v63  }
0x6d: {  	_ =	swait.ge [sflag:s11], $0x80  }
0x6e: {  	[sflag:s11] =	ssyncset.done $0x0  }
0x6f: {  	[sflag:s11] =	ssyncadd.s32 $0xFFFFFF80  }
0x70: {  	[tilespmem:s16], [sflag:$0x1] =	stream.indirect.gather [hbm4b:s3+s12], $0x80, s15, s12, $0xb8;
	[tilespmem:$0x18300] =	vst v63  }
0x71: {  	_ = 	snop  }
0x72: {  	[tilespmem:s17], [sflag:$0x2] =	stream.linear.gather [hbm4b:s26+s2], $0x80, $0x38;
	[tilespmem:$0x18300] =	vst v63  }
0x73: {  	_ =	swait.ge [sflag:s11], $0x80  }
0x74: {  	[sflag:s11] =	ssyncset.done $0x0  }
0x75: {  	[sflag:s11] =	ssyncadd.s32 $0xFFFFFF80  }
0x76: {  	[tilespmem:s18], [sflag:$0x1] =	stream.indirect.gather [hbm4b:s3+s12], $0x80, s17, s12, $0xb8;
	[tilespmem:$0x18300] =	vst v63  }
0x77: {  	_ = 	snop  }
0x78: {  	[tilespmem:s19], [sflag:$0x2] =	stream.linear.gather [hbm4b:s30+s2], $0x80, $0x38;
	[tilespmem:$0x18300] =	vst v63  }
0x79: {  	_ =	swait.ge [sflag:s11], $0x80  }
0x7a: {  	[sflag:s11] =	ssyncset.done $0x0  }
0x7b: {  	[sflag:s11] =	ssyncadd.s32 $0xFFFFFF80  }
0x7c: {  	[tilespmem:s20], [sflag:$0x1] =	stream.indirect.gather [hbm4b:s3+s12], $0x80, s19, s12, $0xb8;
	[tilespmem:$0x18300] =	vst v63  }
0x7d: {  	_ = 	snop  }
0x7e: {  	[tilespmem:s21], [sflag:$0x2] =	stream.linear.gather [hbm4b:s29+s2], $0x80, $0x38;
	[tilespmem:$0x18300] =	vst v63  }
0x7f: {  	_ =	swait.ge [sflag:s11], $0x80  }
0x80: {  	[sflag:s11] =	ssyncset.done $0x0  }
0x81: {  	[sflag:s11] =	ssyncadd.s32 $0xFFFFFF80  }
0x82: {  	[tilespmem:s22], [sflag:$0x1] =	stream.indirect.gather [hbm4b:s3+s12], $0x80, s21, s12, $0xb8;
	[tilespmem:$0x18300] =	vst v63  }
0x83: {  	_ =	swait.ge [sflag:s23], $0x4000  }
0x84: {  	s1 =	smov.u32 s25;
	s4 =	rddreg [dreg:$0x2];
	[sflag:s23] =	ssyncset.done $0x0  }
0x85: {  	[sflag:s23] =	ssyncadd.s32 $0xFFFFC000;
	s1 =	sadd.s32 s1, s4  }
0x86: {  	[hbm4b:s1+s2] =	stream.linear.scatter [tilespmem:s13], [sflag:$0x2], $0x4000, $0x38;
	[tilespmem:$0x18300] =	vst v63  }
0x87: {  	_ =	swait.ge [sflag:s11], $0x4000  }
0x88: {  	[sflag:s11] =	ssyncset.done $0x0  }
0x89: {  	[sflag:s11] =	ssyncadd.s32 $0xFFFFC000  }
0x8a: {  	_ =	swait.ge [sflag:s23], $0x4000  }
0x8b: {  	[sflag:s23] =	ssyncset.done $0x0  }
0x8c: {  	s4 =	sadd.s32 $0x800, s1;
	[sflag:s23] =	ssyncadd.s32 $0xFFFFC000  }
0x8d: {  	[hbm4b:s4+s2] =	stream.linear.scatter [tilespmem:s14], [sflag:$0x2], $0x4000, $0x38;
	[tilespmem:$0x18300] =	vst v63  }
0x8e: {  	_ =	swait.ge [sflag:s11], $0x4000  }
0x8f: {  	[sflag:s11] =	ssyncset.done $0x0  }
0x90: {  	[sflag:s11] =	ssyncadd.s32 $0xFFFFC000  }
0x91: {  	_ =	swait.ge [sflag:s23], $0x4000  }
0x92: {  	[sflag:s23] =	ssyncset.done $0x0  }
0x93: {  	s4 =	sadd.s32 $0x1000, s1;
	[sflag:s23] =	ssyncadd.s32 $0xFFFFC000  }
0x94: {  	[hbm4b:s4+s2] =	stream.linear.scatter [tilespmem:s16], [sflag:$0x2], $0x4000, $0x38;
	[tilespmem:$0x18300] =	vst v63  }
0x95: {  	_ =	swait.ge [sflag:s11], $0x4000  }
0x96: {  	[sflag:s11] =	ssyncset.done $0x0  }
0x97: {  	[sflag:s11] =	ssyncadd.s32 $0xFFFFC000  }
0x98: {  	_ =	swait.ge [sflag:s23], $0x4000  }
0x99: {  	[sflag:s23] =	ssyncset.done $0x0  }
0x9a: {  	s4 =	sadd.s32 $0x1800, s1;
	[sflag:s23] =	ssyncadd.s32 $0xFFFFC000  }
0x9b: {  	[hbm4b:s4+s2] =	stream.linear.scatter [tilespmem:s18], [sflag:$0x2], $0x4000, $0x38;
	[tilespmem:$0x18300] =	vst v63  }
0x9c: {  	_ =	swait.ge [sflag:s11], $0x4000  }
0x9d: {  	[sflag:s11] =	ssyncset.done $0x0  }
0x9e: {  	[sflag:s11] =	ssyncadd.s32 $0xFFFFC000  }
0x9f: {  	_ =	swait.ge [sflag:s23], $0x4000  }
0xa0: {  	[sflag:s23] =	ssyncset.done $0x0  }
0xa1: {  	s4 =	sadd.s32 $0x2000, s1;
	[sflag:s23] =	ssyncadd.s32 $0xFFFFC000  }
0xa2: {  	[hbm4b:s4+s2] =	stream.linear.scatter [tilespmem:s20], [sflag:$0x2], $0x4000, $0x38;
	[tilespmem:$0x18300] =	vst v63  }
0xa3: {  	_ =	swait.ge [sflag:s11], $0x4000  }
0xa4: {  	[sflag:s11] =	ssyncset.done $0x0  }
0xa5: {  	[sflag:s11] =	ssyncadd.s32 $0xFFFFC000  }
0xa6: {  	p0 =	sne.s32 s25, $0x6000;
	_ =	swait.ge [sflag:s23], $0x4000  }
.Ltmp0:
0xa7: {  	[sflag:s23] =	ssyncset.done $0x0;
	(pc) =	sbr.rel @p0 .LBB2_2-.Ltmp0, $4  }
0xa8: {  	s25 =	sadd.s32 $0x3000, s25;
	s1 =	sadd.s32 $0x2800, s1;
	[sflag:s23] =	ssyncadd.s32 $0xFFFFC000  }
0xa9: {  	[hbm4b:s1+s2] =	stream.linear.scatter [tilespmem:s22], [sflag:$0x2], $0x4000, $0x38;
	[tilespmem:$0x18300] =	vst v63  }
0xaa: {  	s28 =	sadd.s32 $0x60, s28;
	s26 =	sadd.s32 $0x60, s26;
	_ =	swait.ge [sflag:s11], $0x4000  }
0xab: {  	s30 =	sadd.s32 $0x60, s30;
	s29 =	sadd.s32 $0x60, s29;
	[sflag:s11] =	ssyncset.done $0x0  }
0xac: {  	s24 =	sadd.s32 $0x1, s24;
	s1 =	rddreg [dreg:$0x3]  }
0xad: {  	p0 =	sne.s32 s24, s1  }
.Ltmp1:
0xae: {  	_ = 	snop;
	(pc) =	sbr.rel @p0 .LBB2_1-.Ltmp1, $2  }
0xaf: {  	_ =	sdelay $0x2  }
0xb0: {  	[sflag:s11] =	ssyncadd.s32 $0xFFFFC000  }
0xb1: {  	_ =	sfence.sel $0x180000  }
0xb2: {  	[bflag:$0x0] =	sbarrier.arrive $0xFFFF  }
0xb3: {  	_ =	strace $0x9000004A  }
0xb4: {  	s0 =	stileid.u32;
	[bflag:$0x2] =	sbarrier.arrive $0xFFFF  }
0xb5: {  	p0 =	sne.s32 s0, $0x0;
	s0 =	rddreg [dreg:$0x1]  }
0xb6: {  	s0 =	sadd.s32 @!p0 $0x100000, s0  }
0xb7: {  	[sflag:s0] =	ssyncadd.tile.s32 @!p0 $0x1;
	_ =	shalt  }
.Lfunc_end2:
_tile_overlayer_lowered:
.L_overlay_start_2:
0xb8: {  	(tag) =	ssettag $0x2  }
0xb9: {  	s0 =	rddreg [dreg:$0x0];
	s2 =	stileid.u32  }
0xba: {  	s1 =	rddreg [dreg:$0x1];
	p0 =	sne.s32 s2, $0x0  }
0xbb: {  	s3 =	rddreg [dreg:$0x2];
	[bflag:$0x3] =	sbarrier.arrive $0xFFFF;
	s2 =	simm.s32 @!p0 $0x1C02  }
0xbc: {  	[timem:s3], [sflag:s2] =	dma.local @!p0 [hbm:s0], s1  }
0xbd: {  	s0 =	simm.s32 @!p0 $0x2  }
0xbe: {  	_ =	swait.ge @!p0 [sflag:s0], s1  }
0xbf: {  	s1 =	ssub.s32 @!p0 $0x0, s1;
	[sflag:s0] =	ssyncset.done @!p0 $0x0  }
0xc0: {  	[sflag:s0] =	ssyncadd.s32 @!p0 s1  }
0xc1: {  	[bflag:$0x3] =	sbarrier.arrive $0xFFFF  }
0xc2: {  	_ =	shalt  }

// kernel: kernel.15.cloned.1.call-start
scs
__scs_entry_jumppad:
0x0: {  	(pc) =	sbr.rel $0x88, $3  }
0x1: {  	(tag) =	ssettag $0x0;
	lr =	simm.s32 $0x1  }
0x2: {  	[smem:$0x3F98] =	sst lr;
	_ =	strace $0xD0000000  }
0x3: {  	_ = 	snop  }
0x4: {  	_ = 	snop  }
0x5: {  	_ = 	snop  }
0x6: {  	_ = 	snop  }
0x7: {  	_ = 	snop  }
__scs_overlays_trampoline_lowered:
0x8: {  	[smem:$0x3FA7] =	sst s0  }
0x9: {  	[smem:$0x3FA8] =	sst s1  }
0xa: {  	[smem:$0x3FA9] =	sst s2  }
0xb: {  	[smem:$0x3FAA] =	sst s3  }
0xc: {  	[smem:$0x3FAB] =	sst s4  }
0xd: {  	[smem:$0x3FAC] =	sst s5  }
0xe: {  	[smem:$0x3FAD] =	sst s6  }
0xf: {  	[smem:$0x3FAE] =	sst s7  }
0x10: {  	[smem:$0x3FAF] =	sst s8  }
0x11: {  	[smem:$0x3FB0] =	sst s9;
	s0 =	simm.s32 @!p0 $0x0  }
0x12: {  	s1 =	sld [smem:$0x3F96];
	s0 =	simm.s32 @p0 $0x1  }
0x13: {  	[smem:$0x3FB1] =	sst s0;
	s0 =	simm.s32 @!p1 $0x0  }
0x14: {  	s2 =	sld [smem:$0x3F95];
	s0 =	simm.s32 @p1 $0x1  }
0x15: {  	[smem:$0x3FB2] =	sst s0;
	s0 =	simm.s32 @!p2 $0x0  }
0x16: {  	s3 =	sld [smem:$0x3FDB];
	s0 =	simm.s32 @p2 $0x1  }
0x17: {  	s4 =	simm.s32 $0x1BF5;
	[smem:$0x3FB4] =	sst s0  }
0x18: {  	s0 =	sld [smem:$0x3F97];
	_ =	swait.ge [sflag:s4], $0x0  }
0x19: {  	s7 =	sld [smem:$0x3F98]  }
0x1a: {  	s8 =	sadd.s32 $0xFFFFE003, lr  }
0x1b: {  	s9 =	sadd.s32 $0xFFFFFEF7, lr;
	s5 =	simm.s32 $0xFFFFFFFF;
	p2 =	slt.u32 s8, $0xFFFFF086  }
0x1c: {  	p1 =	slt.u32 s9, $0xF7A;
	s5 =	simm.s32 @!p2 $0x0  }
0x1d: {  	s5 =	simm.s32 @p1 $0x1;
	p0 =	seq.s32 s7, s2  }
0x1e: {  	s7 =	smul.u32 @!p0 $0xF7A, s2;
	p2 =	seq.s32 @!p0 s5, $0x0  }
0x1f: {  	s9 =	smul.u32 $0xF7A, s1;
	s8 =	simm.s32 @!p0 $0x1BF5;
	p2 =	por !p2, p0  }
0x20: {  	[sflag:s8] =	ssyncset.s32 @!p0 $0xFFFFF086;
	s6 =	sadd.s32 @!p0 s3, s7;
	s7 =	simm.s32 @!p0 $0x108  }
0x21: {  	s3 =	sadd.s32 s3, s9;
	s6 =	sadd.s32 @!p0 $0x88, s6;
	s7 =	simm.s32 @p2 $0x1082  }
0x22: {  	[simem:s7], [sflag:s8] =	dma.local @!p0 [hbm:s6], $0xF7A  }
0x23: {  	s9 =	sor.u32 $0xD0000000, s2;
	s6 =	simm.s32 $0x108;
	_ =	swait.ge @!p0 [sflag:s8], $0x0  }
0x24: {  	s3 =	sadd.s32 $0x88, s3;
	s6 =	simm.s32 @!p1 $0x1082;
	[sflag:s4] =	ssyncset.s32 $0xFFFFF086  }
0x25: {  	[simem:s6], [sflag:s4] =	dma.local [hbm:s3], $0xF7A  }
0x26: {  	[smem:$0x3F98] =	sst s1;
	(tag) =	ssettag s2;
	_ =	strace s9  }
0x27: {  	s1 =	sld [smem:$0x3FA8]  }
0x28: {  	s2 =	sld [smem:$0x3FA9]  }
0x29: {  	s4 =	sld [smem:$0x3FAB]  }
0x2a: {  	p0 =	seq.s32 s5, $0x0;
	s5 =	sld [smem:$0x3FAC]  }
0x2b: {  	s6 =	sld [smem:$0x3FAD]  }
0x2c: {  	s7 =	sld [smem:$0x3FAE]  }
0x2d: {  	s3 =	simm.s32 $0x108;
	s8 =	sld [smem:$0x3FAF]  }
0x2e: {  	s3 =	simm.s32 @!p0 $0x1082;
	s9 =	sld [smem:$0x3FB0]  }
0x2f: {  	lr =	sadd.s32 s0, s3;
	s0 =	sld [smem:$0x3FA7]  }
0x30: {  	s3 =	sld [smem:$0x3FAA]  }
0x31: {  	[smem:$0x3FB3] =	sst s10  }
0x32: {  	s10 =	sld [smem:$0x3FB1];
	_ =	sdelay $0x3  }
0x33: {  	p0 =	seq.s32 s10, $0x1;
	s10 =	sld [smem:$0x3FB3];
	_ =	sdelay $0x3  }
0x34: {  	[smem:$0x3FB3] =	sst s10  }
0x35: {  	s10 =	sld [smem:$0x3FB2];
	_ =	sdelay $0x3  }
0x36: {  	p1 =	seq.s32 s10, $0x1;
	s10 =	sld [smem:$0x3FB3];
	_ =	sdelay $0x3  }
0x37: {  	[smem:$0x3FB3] =	sst s10  }
0x38: {  	s10 =	sld [smem:$0x3FB4]  }
0x39: {  	_ = 	snop;
	(pc) =	sbr.ind lr, $3  }
0x3a: {  	_ = 	snop  }
0x3b: {  	_ = 	snop  }
0x3c: {  	p2 =	seq.s32 s10, $0x1;
	s10 =	sld [smem:$0x3FB3]  }
0x3d: {  	_ =	shalt  }
0x3e: {  	_ =	shalt  }
0x3f: {  	_ =	shalt  }
0x40: {  	_ =	shalt  }
0x41: {  	_ =	shalt  }
0x42: {  	_ =	shalt  }
0x43: {  	_ =	shalt  }
0x44: {  	_ =	shalt  }
0x45: {  	_ =	shalt  }
0x46: {  	_ =	shalt  }
0x47: {  	_ =	shalt  }
0x48: {  	_ =	shalt  }
0x49: {  	_ =	shalt  }
0x4a: {  	_ =	shalt  }
0x4b: {  	_ =	shalt  }
0x4c: {  	_ =	shalt  }
0x4d: {  	_ =	shalt  }
0x4e: {  	_ =	shalt  }
0x4f: {  	_ =	shalt  }
0x50: {  	_ =	shalt  }
0x51: {  	_ =	shalt  }
0x52: {  	_ =	shalt  }
0x53: {  	_ =	shalt  }
0x54: {  	_ =	shalt  }
0x55: {  	_ =	shalt  }
0x56: {  	_ =	shalt  }
0x57: {  	_ =	shalt  }
0x58: {  	_ =	shalt  }
0x59: {  	_ =	shalt  }
0x5a: {  	_ =	shalt  }
0x5b: {  	_ =	shalt  }
0x5c: {  	_ =	shalt  }
0x5d: {  	_ =	shalt  }
0x5e: {  	_ =	shalt  }
0x5f: {  	_ =	shalt  }
0x60: {  	_ =	shalt  }
0x61: {  	_ =	shalt  }
0x62: {  	_ =	shalt  }
0x63: {  	_ =	shalt  }
0x64: {  	_ =	shalt  }
0x65: {  	_ =	shalt  }
0x66: {  	_ =	shalt  }
0x67: {  	_ =	shalt  }
0x68: {  	_ =	shalt  }
0x69: {  	_ =	shalt  }
0x6a: {  	_ =	shalt  }
0x6b: {  	_ =	shalt  }
0x6c: {  	_ =	shalt  }
0x6d: {  	_ =	shalt  }
0x6e: {  	_ =	shalt  }
0x6f: {  	_ =	shalt  }
0x70: {  	_ =	shalt  }
0x71: {  	_ =	shalt  }
0x72: {  	_ =	shalt  }
0x73: {  	_ =	shalt  }
0x74: {  	_ =	shalt  }
0x75: {  	_ =	shalt  }
0x76: {  	_ =	shalt  }
0x77: {  	_ =	shalt  }
0x78: {  	_ =	shalt  }
0x79: {  	_ =	shalt  }
0x7a: {  	_ =	shalt  }
0x7b: {  	_ =	shalt  }
0x7c: {  	_ =	shalt  }
0x7d: {  	_ =	shalt  }
0x7e: {  	_ =	shalt  }
0x7f: {  	_ =	shalt  }
0x80: {  	_ =	shalt  }
0x81: {  	_ =	shalt  }
0x82: {  	_ =	shalt  }
0x83: {  	_ =	shalt  }
0x84: {  	_ =	shalt  }
0x85: {  	_ =	shalt  }
0x86: {  	_ =	shalt  }
0x87: {  	_ =	shalt  }
.Lfunc_end0:
.L_simem_size_0:
called_computation.1_lowered:
.L_overlay_start_0:
0x88: {  	s2 =	sld [smem:$0x3FD9]  }
0x89: {  	s3 =	sld [smem:$0x3FFE];
	_ =	sdelay $0x1  }
0x8a: {  	s1 =	srdreg.scid  }
0x8b: {  	s0 =	sand.u32 $0x1, s1  }
0x8c: {  	s16 =	sshll.u32 s0, $0xA;
	s2 =	sadd.s32 s3, s2  }
0x8d: {  	s2 =	sadd.s32 s2, s16  }
0x8e: {  	[smem:$0x3FBF] =	sst s2  }
0x8f: {  	_ = 	snop  }
0x90: {  	(tm) =	ssettm $0x1  }
0x91: {  	s17 =	sld [smem:$0x3FFB];
	_ =	sdelay $0x3  }
0x92: {  	_ =	strace s17  }
0x93: {  	s2 =	sld [smem:$0x3FFC];
	_ =	sdelay $0x3  }
0x94: {  	_ =	strace s2  }
0x95: {  	s2 =	sld [smem:$0x3FFD];
	_ =	sdelay $0x3  }
0x96: {  	_ =	strace s2  }
0x97: {  	_ =	strace $0x8FFFFFFF  }
0x98: {  	s18 =	sld [smem:$0x3FDB];
	_ =	sdelay $0x1  }
0x99: {  	s19 =	simm.s32 $_scs_section_size  }
0x9a: {  	s4 =	simm.s32 $_size__tile_overlayer_lowered;
	s5 =	simm.s32 $_tile_overlayer_lowered  }
0x9b: {  	s22 =	simm.s32 $0x1BFF;
	s21 =	sshll.u32 s5, $0x1;
	s2 =	sadd.s32 s19, s18  }
0x9c: {  	s6 =	simm.s32 $0x0;
	s20 =	sshll.u32 s4, $0x1;
	s4 =	sadd.s32 s21, s2  }
0x9d: {  	[timem:s6], [sflag:s22] =	dma.local [hbm:s4], s20  }
0x9e: {  	_ =	swait.ge [sflag:s22], s20  }
0x9f: {  	s3 =	ssub.s32 $0x0, s20;
	[sflag:s22] =	ssyncset.done $0x0  }
0xa0: {  	[sflag:s22] =	ssyncadd.s32 s3;
	_ =	sdelay $0x1  }
0xa1: {  	s23 =	simm.s32 $0x1B8B  }
0xa2: {  	_ =	swait.ge [sflag:s23], $0x1  }
0xa3: {  	[sflag:s23] =	ssyncset.done $0x0  }
0xa4: {  	s25 =	simm.s32 $0x1B8E;
	s24 =	sld [smem:$0x3FFE];
	[sflag:s23] =	ssyncadd.s32 $0xFFFFFFFF  }
0xa5: {  	s26 =	simm.s32 $execute0_lowered;
	[smem:$0x3FD2] =	sst s25  }
0xa6: {  	s4 =	sshll.u32 s26, $0x1;
	_ =	strace $0x80000046;
	[dreg:$0x1] =	wrdreg $0xFFFFFFFF  }
0xa7: {  	s28 =	simm.s32 $_size_execute0_lowered;
	s2 =	sadd.s32 s2, s4;
	[dreg:$0x0] =	wrdreg $0x0  }
0xa8: {  	s4 =	sshll.u32 s28, $0x1;
	[dreg:$0x2] =	wrdreg s2  }
0xa9: {  	[dreg:$0x3] =	wrdreg s4  }
0xaa: {  	[dreg:$0x4] =	wrdreg $0xC0  }
0xab: {  	_ =	task [dreg:s6], $0x5FFFF  }
0xac: {  	[dreg:$0x1] =	wrdreg $0xFFFFFFFF  }
0xad: {  	[dreg:$0x0] =	wrdreg $0x60  }
0xae: {  	[dreg:$0x2] =	wrdreg s24  }
0xaf: {  	[dreg:$0x3] =	wrdreg $0xA  }
0xb0: {  	_ =	task.clear_ibuf [dreg:s6], $0x4FFFF;
	_ =	strace $0x90000046  }
0xb1: {  	s29 =	simm.s32 $0xA;
	_ =	strace $0x80000048  }
0xb2: {  	_ =	swait.ge [sflag:s29], $0x1  }
0xb3: {  	[sflag:s29] =	ssyncadd.s32 $0xFFFFFFFF  }
0xb4: {  	_ =	strace $0x90000048  }
0xb5: {  	_ =	sfence  }
0xb6: {  	s30 =	sld [smem:$0x0];
	_ =	sdelay $0x2  }
0xb7: {  	s31 =	sshll.u32 s1, $0xD;
	s1 =	sshrl.u32 s1, $0x2  }
0xb8: {  	s3 =	sand.u32 $0x4000, s31;
	s1 =	sadd.s32 s1, s30  }
0xb9: {  	s0 =	sor.u32 s3, s0;
	s1 =	sshll.u32 s1, $0x11  }
0xba: {  	s0 =	sor.u32 s1, s0  }
0xbb: {  	s0 =	sadd.s32 $0x8F2B, s0  }
0xbc: {  	[sflag:s0] =	ssyncadd.remote.s32 $0x1  }
0xbd: {  	_ =	sfence.sel $0xFFFF  }
0xbe: {  	[dreg:$0x0] =	wrdreg $0xFFFFFFFF;
	(pc) =	sbr.abs _section_cstart, $3  }
0xbf: {  	[dreg:$0x1] =	wrdreg $0xFFFFFFFF  }
0xc0: {  	_ =	task.clear_ibuf [dreg:s6], $0x2FFFF;
	_ =	strace $0x9FFFFFFF  }
0xc1: {  	(tm) =	ssettm $0x7FFFFFFF  }
tec
execute0_lowered:
.L_overlay_start_1:
0x0: {  	(tag) =	ssettag $0x1  }
0x1: {  	s0 =	rddreg [dreg:$0x0]  }
0x2: {  	s6 =	stileid.u32;
	s1 =	srdreg.scid  }
0x3: {  	s2 =	simm.s32 $0x0;
	s11 =	simm.s32 $0x2;
	s12 =	simm.s32 $0x80  }
0x4: {  	s13 =	simm.s32 $0x300;
	s14 =	simm.s32 $0x4300;
	s15 =	simm.s32 $0x100  }
0x5: {  	s16 =	simm.s32 $0x8300;
	s17 =	simm.s32 $0x180;
	s18 =	simm.s32 $0xC300  }
0x6: {  	s19 =	simm.s32 $0x200;
	s20 =	simm.s32 $0x10300;
	s21 =	simm.s32 $0x280  }
0x7: {  	s22 =	simm.s32 $0x14300;
	s23 =	simm.s32 $0x1;
	s4 =	smul.u32 $0x12000, s6  }
0x8: {  	s24 =	simm.s32 $0x0;
	s1 =	sand.u32 $0x1, s1;
	s6 =	smul.u32 $0x1200, s6  }
0x9: {  	[smem:$0x7FF] =	sst s2;
	s3 =	sadd.s32 $0x3600, s0;
	s5 =	smul.u32 $0x9000, s1  }
0xa: {  	s10 =	sadd.s32 $0x63600, s0;
	s7 =	ssub.s32 $0x2, s1;
	s1 =	smul.u32 $0x900, s1  }
0xb: {  	_ =	strace $0x80000047;
	s4 =	sadd.s32 s4, s0;
	s26 =	sshrl.u32 s7, $0x1  }
0xc: {  	s4 =	sadd.s32 s5, s4;
	s0 =	ssub.s32 s7, s26;
	s1 =	sadd.s32 s1, s6  }
0xd: {  	s5 =	sadd.s32 $0x65A00, s4;
	s0 =	smax.u32 s0, $0x1;
	s28 =	sor.u32 $0x80, s1  }
0xe: {  	s6 =	sshrl.u32 s1, $0x3;
	s29 =	sadd.s32 $0x280, s1;
	s31 =	sadd.s32 $0x200, s1  }
0xf: {  	s8 =	sadd.s32 $0x180, s1;
	s1 =	sadd.s32 $0x100, s1;
	[dreg:$0x3] =	wrdreg s0  }
0x10: {  	[dreg:$0x2] =	wrdreg s5;
	s0 =	sshrl.u32 s28, $0x3;
	s30 =	sshrl.u32 s29, $0x3  }
0x11: {  	s9 =	sshrl.u32 s8, $0x3;
	s1 =	sshrl.u32 s1, $0x3;
	s5 =	sadd.s32 s0, s10  }
0x12: {  	s0 =	sadd.s32 s6, s10;
	s7 =	sadd.s32 s30, s10;
	s6 =	sshrl.u32 s31, $0x3  }
0x13: {  	s9 =	sadd.s32 s9, s10;
	s8 =	sadd.s32 s6, s10;
	s10 =	sadd.s32 s1, s10  }
.LBB2_1:
0x14: {  	[tilespmem:s2], [sflag:$0x2] =	stream.linear.gather [hbm4b:s0+s2], $0x80, $0x38;
	[tilespmem:$0x18300] =	vst v63  }
0x15: {  	_ =	swait.ge [sflag:s11], $0x80  }
0x16: {  	[sflag:s11] =	ssyncset.done $0x0  }
0x17: {  	[sflag:s11] =	ssyncadd.s32 $0xFFFFFF80  }
0x18: {  	[tilespmem:s13], [sflag:$0x1] =	stream.indirect.gather [hbm4b:s3+s12], $0x80, s2, s12, $0xb8;
	[tilespmem:$0x18300] =	vst v63  }
0x19: {  	_ = 	snop  }
0x1a: {  	[tilespmem:s12], [sflag:$0x2] =	stream.linear.gather [hbm4b:s5+s2], $0x80, $0x38;
	[tilespmem:$0x18300] =	vst v63  }
0x1b: {  	_ =	swait.ge [sflag:s11], $0x80  }
0x1c: {  	[sflag:s11] =	ssyncset.done $0x0  }
0x1d: {  	[sflag:s11] =	ssyncadd.s32 $0xFFFFFF80  }
0x1e: {  	[tilespmem:s14], [sflag:$0x1] =	stream.indirect.gather [hbm4b:s3+s12], $0x80, s12, s12, $0xb8;
	[tilespmem:$0x18300] =	vst v63  }
0x1f: {  	_ = 	snop  }
0x20: {  	[tilespmem:s15], [sflag:$0x2] =	stream.linear.gather [hbm4b:s10+s2], $0x80, $0x38;
	[tilespmem:$0x18300] =	vst v63  }
0x21: {  	_ =	swait.ge [sflag:s11], $0x80  }
0x22: {  	[sflag:s11] =	ssyncset.done $0x0  }
0x23: {  	[sflag:s11] =	ssyncadd.s32 $0xFFFFFF80  }
0x24: {  	[tilespmem:s16], [sflag:$0x1] =	stream.indirect.gather [hbm4b:s3+s12], $0x80, s15, s12, $0xb8;
	[tilespmem:$0x18300] =	vst v63  }
0x25: {  	_ = 	snop  }
0x26: {  	[tilespmem:s17], [sflag:$0x2] =	stream.linear.gather [hbm4b:s9+s2], $0x80, $0x38;
	[tilespmem:$0x18300] =	vst v63  }
0x27: {  	_ =	swait.ge [sflag:s11], $0x80  }
0x28: {  	[sflag:s11] =	ssyncset.done $0x0  }
0x29: {  	[sflag:s11] =	ssyncadd.s32 $0xFFFFFF80  }
0x2a: {  	[tilespmem:s18], [sflag:$0x1] =	stream.indirect.gather [hbm4b:s3+s12], $0x80, s17, s12, $0xb8;
	[tilespmem:$0x18300] =	vst v63  }
0x2b: {  	_ = 	snop  }
0x2c: {  	[tilespmem:s19], [sflag:$0x2] =	stream.linear.gather [hbm4b:s8+s2], $0x80, $0x38;
	[tilespmem:$0x18300] =	vst v63  }
0x2d: {  	_ =	swait.ge [sflag:s11], $0x80  }
0x2e: {  	[sflag:s11] =	ssyncset.done $0x0  }
0x2f: {  	[sflag:s11] =	ssyncadd.s32 $0xFFFFFF80  }
0x30: {  	[tilespmem:s20], [sflag:$0x1] =	stream.indirect.gather [hbm4b:s3+s12], $0x80, s19, s12, $0xb8;
	[tilespmem:$0x18300] =	vst v63  }
0x31: {  	_ = 	snop  }
0x32: {  	[tilespmem:s21], [sflag:$0x2] =	stream.linear.gather [hbm4b:s7+s2], $0x80, $0x38;
	[tilespmem:$0x18300] =	vst v63  }
0x33: {  	_ =	swait.ge [sflag:s11], $0x80  }
0x34: {  	[sflag:s11] =	ssyncset.done $0x0  }
0x35: {  	[sflag:s11] =	ssyncadd.s32 $0xFFFFFF80  }
0x36: {  	[tilespmem:s22], [sflag:$0x1] =	stream.indirect.gather [hbm4b:s3+s12], $0x80, s21, s12, $0xb8;
	[tilespmem:$0x18300] =	vst v63  }
0x37: {  	_ =	swait.ge [sflag:s23], $0x4000  }
0x38: {  	s1 =	rddreg [dreg:$0x2];
	[sflag:s23] =	ssyncset.done $0x0  }
0x39: {  	[sflag:s23] =	ssyncadd.s32 $0xFFFFC000;
	s1 =	sadd.s32 $0x0, s1  }
0x3a: {  	[hbm4b:s1+s2] =	stream.linear.scatter [tilespmem:s13], [sflag:$0x2], $0x4000, $0x38;
	[tilespmem:$0x18300] =	vst v63  }
0x3b: {  	_ =	swait.ge [sflag:s11], $0x4000  }
0x3c: {  	[sflag:s11] =	ssyncset.done $0x0  }
0x3d: {  	[sflag:s11] =	ssyncadd.s32 $0xFFFFC000  }
0x3e: {  	_ =	swait.ge [sflag:s23], $0x4000  }
0x3f: {  	[sflag:s23] =	ssyncset.done $0x0  }
0x40: {  	s6 =	sadd.s32 $0x800, s1;
	[sflag:s23] =	ssyncadd.s32 $0xFFFFC000  }
0x41: {  	[hbm4b:s6+s2] =	stream.linear.scatter [tilespmem:s14], [sflag:$0x2], $0x4000, $0x38;
	[tilespmem:$0x18300] =	vst v63  }
0x42: {  	_ =	swait.ge [sflag:s11], $0x4000  }
0x43: {  	[sflag:s11] =	ssyncset.done $0x0  }
0x44: {  	[sflag:s11] =	ssyncadd.s32 $0xFFFFC000  }
0x45: {  	_ =	swait.ge [sflag:s23], $0x4000  }
0x46: {  	[sflag:s23] =	ssyncset.done $0x0  }
0x47: {  	s4 =	sadd.s32 $0x1000, s1;
	[sflag:s23] =	ssyncadd.s32 $0xFFFFC000  }
0x48: {  	[hbm4b:s4+s2] =	stream.linear.scatter [tilespmem:s16], [sflag:$0x2], $0x4000, $0x38;
	[tilespmem:$0x18300] =	vst v63  }
0x49: {  	_ =	swait.ge [sflag:s11], $0x4000  }
0x4a: {  	[sflag:s11] =	ssyncset.done $0x0  }
0x4b: {  	[sflag:s11] =	ssyncadd.s32 $0xFFFFC000  }
0x4c: {  	_ =	swait.ge [sflag:s23], $0x4000  }
0x4d: {  	[sflag:s23] =	ssyncset.done $0x0  }
0x4e: {  	s25 =	sadd.s32 $0x1800, s1;
	[sflag:s23] =	ssyncadd.s32 $0xFFFFC000  }
0x4f: {  	[hbm4b:s25+s2] =	stream.linear.scatter [tilespmem:s18], [sflag:$0x2], $0x4000, $0x38;
	[tilespmem:$0x18300] =	vst v63  }
0x50: {  	_ =	swait.ge [sflag:s11], $0x4000  }
0x51: {  	[sflag:s11] =	ssyncset.done $0x0  }
0x52: {  	[sflag:s11] =	ssyncadd.s32 $0xFFFFC000  }
0x53: {  	_ =	swait.ge [sflag:s23], $0x4000  }
0x54: {  	[sflag:s23] =	ssyncset.done $0x0  }
0x55: {  	s26 =	sadd.s32 $0x2000, s1;
	[sflag:s23] =	ssyncadd.s32 $0xFFFFC000  }
0x56: {  	[hbm4b:s26+s2] =	stream.linear.scatter [tilespmem:s20], [sflag:$0x2], $0x4000, $0x38;
	[tilespmem:$0x18300] =	vst v63  }
0x57: {  	_ =	swait.ge [sflag:s11], $0x4000  }
0x58: {  	[sflag:s11] =	ssyncset.done $0x0  }
0x59: {  	[sflag:s11] =	ssyncadd.s32 $0xFFFFC000  }
0x5a: {  	_ =	swait.ge [sflag:s23], $0x4000  }
0x5b: {  	s28 =	sadd.s32 $0x60, s10;
	s29 =	sadd.s32 $0x60, s7;
	[sflag:s23] =	ssyncset.done $0x0  }
0x5c: {  	s30 =	sadd.s32 $0x60, s8;
	s1 =	sadd.s32 $0x2800, s1;
	[sflag:s23] =	ssyncadd.s32 $0xFFFFC000  }
0x5d: {  	[hbm4b:s1+s2] =	stream.linear.scatter [tilespmem:s22], [sflag:$0x2], $0x4000, $0x38;
	[tilespmem:$0x18300] =	vst v63  }
0x5e: {  	s31 =	smov.u32 s5;
	s6 =	smov.u32 s0;
	_ =	swait.ge [sflag:s11], $0x4000  }
0x5f: {  	s25 =	simm.s32 $0x3000;
	s26 =	sadd.s32 $0x60, s9;
	[sflag:s11] =	ssyncset.done $0x0  }
.LBB2_2:
0x60: {  	[sflag:s11] =	ssyncadd.s32 $0xFFFFC000;
	s6 =	sadd.s32 $0x60, s6  }
0x61: {  	[tilespmem:s2], [sflag:$0x2] =	stream.linear.gather [hbm4b:s6+s2], $0x80, $0x38;
	[tilespmem:$0x18300] =	vst v63  }
0x62: {  	_ =	swait.ge [sflag:s11], $0x80  }
0x63: {  	[sflag:s11] =	ssyncset.done $0x0  }
0x64: {  	[sflag:s11] =	ssyncadd.s32 $0xFFFFFF80  }
0x65: {  	[tilespmem:s13], [sflag:$0x1] =	stream.indirect.gather [hbm4b:s3+s12], $0x80, s2, s12, $0xb8;
	[tilespmem:$0x18300] =	vst v63  }
0x66: {  	s31 =	sadd.s32 $0x60, s31  }
0x67: {  	[tilespmem:s12], [sflag:$0x2] =	stream.linear.gather [hbm4b:s31+s2], $0x80, $0x38;
	[tilespmem:$0x18300] =	vst v63  }
0x68: {  	_ =	swait.ge [sflag:s11], $0x80  }
0x69: {  	[sflag:s11] =	ssyncset.done $0x0  }
0x6a: {  	[sflag:s11] =	ssyncadd.s32 $0xFFFFFF80  }
0x6b: {  	[tilespmem:s14], [sflag:$0x1] =	stream.indirect.gather [hbm4b:s3+s12], $0x80, s12, s12, $0xb8;
	[tilespmem:$0x18300] =	vst v63  }
0x6c: {  	_ = 	snop  }
0x6d: {  	[tilespmem:s15], [sflag:$0x2] =	stream.linear.gather [hbm4b:s28+s2], $0x80, $0x38;
	[tilespmem:$0x18300] =	vst v63  }
0x6e: {  	_ =	swait.ge [sflag:s11], $0x80  }
0x6f: {  	[sflag:s11] =	ssyncset.done $0x0  }
0x70: {  	[sflag:s11] =	ssyncadd.s32 $0xFFFFFF80  }
0x71: {  	[tilespmem:s16], [sflag:$0x1] =	stream.indirect.gather [hbm4b:s3+s12], $0x80, s15, s12, $0xb8;
	[tilespmem:$0x18300] =	vst v63  }
0x72: {  	_ = 	snop  }
0x73: {  	[tilespmem:s17], [sflag:$0x2] =	stream.linear.gather [hbm4b:s26+s2], $0x80, $0x38;
	[tilespmem:$0x18300] =	vst v63  }
0x74: {  	_ =	swait.ge [sflag:s11], $0x80  }
0x75: {  	[sflag:s11] =	ssyncset.done $0x0  }
0x76: {  	[sflag:s11] =	ssyncadd.s32 $0xFFFFFF80  }
0x77: {  	[tilespmem:s18], [sflag:$0x1] =	stream.indirect.gather [hbm4b:s3+s12], $0x80, s17, s12, $0xb8;
	[tilespmem:$0x18300] =	vst v63  }
0x78: {  	_ = 	snop  }
0x79: {  	[tilespmem:s19], [sflag:$0x2] =	stream.linear.gather [hbm4b:s30+s2], $0x80, $0x38;
	[tilespmem:$0x18300] =	vst v63  }
0x7a: {  	_ =	swait.ge [sflag:s11], $0x80  }
0x7b: {  	[sflag:s11] =	ssyncset.done $0x0  }
0x7c: {  	[sflag:s11] =	ssyncadd.s32 $0xFFFFFF80  }
0x7d: {  	[tilespmem:s20], [sflag:$0x1] =	stream.indirect.gather [hbm4b:s3+s12], $0x80, s19, s12, $0xb8;
	[tilespmem:$0x18300] =	vst v63  }
0x7e: {  	_ = 	snop  }
0x7f: {  	[tilespmem:s21], [sflag:$0x2] =	stream.linear.gather [hbm4b:s29+s2], $0x80, $0x38;
	[tilespmem:$0x18300] =	vst v63  }
0x80: {  	_ =	swait.ge [sflag:s11], $0x80  }
0x81: {  	[sflag:s11] =	ssyncset.done $0x0  }
0x82: {  	[sflag:s11] =	ssyncadd.s32 $0xFFFFFF80  }
0x83: {  	[tilespmem:s22], [sflag:$0x1] =	stream.indirect.gather [hbm4b:s3+s12], $0x80, s21, s12, $0xb8;
	[tilespmem:$0x18300] =	vst v63  }
0x84: {  	_ =	swait.ge [sflag:s23], $0x4000  }
0x85: {  	s1 =	smov.u32 s25;
	s4 =	rddreg [dreg:$0x2];
	[sflag:s23] =	ssyncset.done $0x0  }
0x86: {  	[sflag:s23] =	ssyncadd.s32 $0xFFFFC000;
	s1 =	sadd.s32 s1, s4  }
0x87: {  	[hbm4b:s1+s2] =	stream.linear.scatter [tilespmem:s13], [sflag:$0x2], $0x4000, $0x38;
	[tilespmem:$0x18300] =	vst v63  }
0x88: {  	_ =	swait.ge [sflag:s11], $0x4000  }
0x89: {  	[sflag:s11] =	ssyncset.done $0x0  }
0x8a: {  	[sflag:s11] =	ssyncadd.s32 $0xFFFFC000  }
0x8b: {  	_ =	swait.ge [sflag:s23], $0x4000  }
0x8c: {  	[sflag:s23] =	ssyncset.done $0x0  }
0x8d: {  	s4 =	sadd.s32 $0x800, s1;
	[sflag:s23] =	ssyncadd.s32 $0xFFFFC000  }
0x8e: {  	[hbm4b:s4+s2] =	stream.linear.scatter [tilespmem:s14], [sflag:$0x2], $0x4000, $0x38;
	[tilespmem:$0x18300] =	vst v63  }
0x8f: {  	_ =	swait.ge [sflag:s11], $0x4000  }
0x90: {  	[sflag:s11] =	ssyncset.done $0x0  }
0x91: {  	[sflag:s11] =	ssyncadd.s32 $0xFFFFC000  }
0x92: {  	_ =	swait.ge [sflag:s23], $0x4000  }
0x93: {  	[sflag:s23] =	ssyncset.done $0x0  }
0x94: {  	s4 =	sadd.s32 $0x1000, s1;
	[sflag:s23] =	ssyncadd.s32 $0xFFFFC000  }
0x95: {  	[hbm4b:s4+s2] =	stream.linear.scatter [tilespmem:s16], [sflag:$0x2], $0x4000, $0x38;
	[tilespmem:$0x18300] =	vst v63  }
0x96: {  	_ =	swait.ge [sflag:s11], $0x4000  }
0x97: {  	[sflag:s11] =	ssyncset.done $0x0  }
0x98: {  	[sflag:s11] =	ssyncadd.s32 $0xFFFFC000  }
0x99: {  	_ =	swait.ge [sflag:s23], $0x4000  }
0x9a: {  	[sflag:s23] =	ssyncset.done $0x0  }
0x9b: {  	s4 =	sadd.s32 $0x1800, s1;
	[sflag:s23] =	ssyncadd.s32 $0xFFFFC000  }
0x9c: {  	[hbm4b:s4+s2] =	stream.linear.scatter [tilespmem:s18], [sflag:$0x2], $0x4000, $0x38;
	[tilespmem:$0x18300] =	vst v63  }
0x9d: {  	_ =	swait.ge [sflag:s11], $0x4000  }
0x9e: {  	[sflag:s11] =	ssyncset.done $0x0  }
0x9f: {  	[sflag:s11] =	ssyncadd.s32 $0xFFFFC000  }
0xa0: {  	_ =	swait.ge [sflag:s23], $0x4000  }
0xa1: {  	[sflag:s23] =	ssyncset.done $0x0  }
0xa2: {  	s4 =	sadd.s32 $0x2000, s1;
	[sflag:s23] =	ssyncadd.s32 $0xFFFFC000  }
0xa3: {  	[hbm4b:s4+s2] =	stream.linear.scatter [tilespmem:s20], [sflag:$0x2], $0x4000, $0x38;
	[tilespmem:$0x18300] =	vst v63  }
0xa4: {  	_ =	swait.ge [sflag:s11], $0x4000  }
0xa5: {  	[sflag:s11] =	ssyncset.done $0x0  }
0xa6: {  	[sflag:s11] =	ssyncadd.s32 $0xFFFFC000  }
0xa7: {  	p0 =	sne.s32 s25, $0x6000;
	_ =	swait.ge [sflag:s23], $0x4000  }
.Ltmp0:
0xa8: {  	[sflag:s23] =	ssyncset.done $0x0;
	(pc) =	sbr.rel @p0 .LBB2_2-.Ltmp0, $4  }
0xa9: {  	s25 =	sadd.s32 $0x3000, s25;
	s1 =	sadd.s32 $0x2800, s1;
	[sflag:s23] =	ssyncadd.s32 $0xFFFFC000  }
0xaa: {  	[hbm4b:s1+s2] =	stream.linear.scatter [tilespmem:s22], [sflag:$0x2], $0x4000, $0x38;
	[tilespmem:$0x18300] =	vst v63  }
0xab: {  	s28 =	sadd.s32 $0x60, s28;
	s26 =	sadd.s32 $0x60, s26;
	_ =	swait.ge [sflag:s11], $0x4000  }
0xac: {  	s30 =	sadd.s32 $0x60, s30;
	s29 =	sadd.s32 $0x60, s29;
	[sflag:s11] =	ssyncset.done $0x0  }
0xad: {  	s24 =	sadd.s32 $0x1, s24;
	s1 =	rddreg [dreg:$0x3]  }
0xae: {  	p0 =	sne.s32 s24, s1  }
.Ltmp1:
0xaf: {  	_ = 	snop;
	(pc) =	sbr.rel @p0 .LBB2_1-.Ltmp1, $2  }
0xb0: {  	_ =	sdelay $0x2  }
0xb1: {  	[sflag:s11] =	ssyncadd.s32 $0xFFFFC000  }
0xb2: {  	_ =	sfence.sel $0x180000  }
0xb3: {  	[bflag:$0x0] =	sbarrier.arrive $0xFFFF  }
0xb4: {  	_ =	strace $0x90000047  }
0xb5: {  	s0 =	stileid.u32;
	[bflag:$0x2] =	sbarrier.arrive $0xFFFF  }
0xb6: {  	p0 =	sne.s32 s0, $0x0;
	s0 =	rddreg [dreg:$0x1]  }
0xb7: {  	s0 =	sadd.s32 @!p0 $0x100000, s0  }
0xb8: {  	[sflag:s0] =	ssyncadd.tile.s32 @!p0 $0x1;
	_ =	shalt  }
.Lfunc_end2:
_tile_overlayer_lowered:
.L_overlay_start_2:
0xb9: {  	(tag) =	ssettag $0x2  }
0xba: {  	s0 =	rddreg [dreg:$0x0];
	s2 =	stileid.u32  }
0xbb: {  	s1 =	rddreg [dreg:$0x1];
	p0 =	sne.s32 s2, $0x0  }
0xbc: {  	s3 =	rddreg [dreg:$0x2];
	[bflag:$0x3] =	sbarrier.arrive $0xFFFF;
	s2 =	simm.s32 @!p0 $0x1C02  }
0xbd: {  	[timem:s3], [sflag:s2] =	dma.local @!p0 [hbm:s0], s1  }
0xbe: {  	s0 =	simm.s32 @!p0 $0x2  }
0xbf: {  	_ =	swait.ge @!p0 [sflag:s0], s1  }
0xc0: {  	s1 =	ssub.s32 @!p0 $0x0, s1;
	[sflag:s0] =	ssyncset.done @!p0 $0x0  }
0xc1: {  	[sflag:s0] =	ssyncadd.s32 @!p0 s1  }
0xc2: {  	[bflag:$0x3] =	sbarrier.arrive $0xFFFF  }
0xc3: {  	_ =	shalt  }

</sc_bundles>
